<compile_context>
chip_gen: v7x
topology: tpu7x:2x2x1
jax: 0.10.2.dev20260603
libtpu: 0.0.44.dev20260713+nightly
codegen_flags: <defaults>
</compile_context>

<pallas_src>
import functools

import jax
import jax.numpy as jnp
from jax import lax
from jax.experimental import pallas as pl
from jax.experimental.pallas import tpu as pltpu
from jax.experimental.pallas import tpu_sc as plsc

_N = 8192
_IN = 128
_L = 256
_K = 16
_B = 8
_EPS = 1e-5

_BIG = 3.0e38
_IMAX = 2**31 - 1

_RB = 512
_CT = 512
_NRB = _N // _RB
_NCT = _N // _CT


def _topk_body(jlo_ref, jhi_ref, xi_ref, xt_ref, bi_ref, bj_ref, out_ref,
               topv, topi):
    i = pl.program_id(0)
    j = pl.program_id(1)

    @pl.when(j == 0)
    def _init():
        topv[...] = jnp.full((_RB, _K), _BIG, jnp.float32)
        topi[...] = jnp.full((_RB, _K), _BIG, jnp.float32)

    active = jnp.logical_and(j >= jlo_ref[i], j <= jhi_ref[i])

    @pl.when(active)
    def _work():
        xi = xi_ref[...]
        xt = xt_ref[...]
        d2 = lax.dot_general(xi, xt, (((1,), (0,)), ((), ())),
                             preferred_element_type=jnp.float32)
        sqi = jnp.sum(xi * xi, axis=1, keepdims=True)
        sqj = jnp.sum(xt * xt, axis=0, keepdims=True)
        d = sqi + sqj - 2.0 * d2
        mask = bi_ref[...] != bj_ref[...]
        d = jnp.where(mask, _BIG, d)
        colidx = ((j * _CT).astype(jnp.float32)
                  + lax.broadcasted_iota(jnp.int32, (_RB, _CT), 1
                                         ).astype(jnp.float32))

        c = jnp.concatenate([topv[...], d], axis=1)
        ci = jnp.concatenate([topi[...], colidx], axis=1)
        vs = []
        gs = []
        for _ in range(_K):
            m = jnp.min(c, axis=1, keepdims=True)
            sel = c == m
            gi = jnp.min(jnp.where(sel, ci, _BIG), axis=1, keepdims=True)
            vs.append(m)
            gs.append(gi)
            c = jnp.where(ci == gi, _BIG, c)
        topv[...] = jnp.concatenate(vs, axis=1)
        topi[...] = jnp.concatenate(gs, axis=1)

    @pl.when(j == _NCT - 1)
    def _fin():
        out_ref[...] = topi[...].astype(jnp.int32)


def _knn(x, xt, b_col, b_row, jlo, jhi):
    grid_spec = pltpu.PrefetchScalarGridSpec(
        num_scalar_prefetch=2,
        grid=(_NRB, _NCT),
        in_specs=[
            pl.BlockSpec((_RB, _IN), lambda i, j, jlo, jhi: (i, 0)),
            pl.BlockSpec((_IN, _CT),
                         lambda i, j, jlo, jhi: (0, jnp.clip(j, jlo[i], jhi[i]))),
            pl.BlockSpec((_RB, 1), lambda i, j, jlo, jhi: (i, 0)),
            pl.BlockSpec((1, _CT),
                         lambda i, j, jlo, jhi: (0, jnp.clip(j, jlo[i], jhi[i]))),
        ],
        out_specs=pl.BlockSpec((_RB, _K), lambda i, j, jlo, jhi: (i, 0)),
        scratch_shapes=[pltpu.VMEM((_RB, _K), jnp.float32),
                        pltpu.VMEM((_RB, _K), jnp.float32)],
    )
    return pl.pallas_call(
        _topk_body,
        grid_spec=grid_spec,
        out_shape=jax.ShapeDtypeStruct((_N, _K), jnp.int32),
    )(jlo, jhi, x, xt, b_col, b_row)


_MB = 512


_LH = _L // 2


def _f32_to_bf16_bits(f):
    bits = lax.bitcast_convert_type(f, jnp.int32)
    rnd = (bits + 0x7FFF + ((bits >> 16) & 1)) >> 16
    return rnd & 0xFFFF


def _mm_body(x_ref, w_ref, a_ref, bm_ref):
    y = lax.dot_general(x_ref[...], w_ref[...], (((1,), (0,)), ((), ())),
                        preferred_element_type=jnp.float32)
    a_ref[...] = y[:, :_L]
    b1 = _f32_to_bf16_bits(y[:, _L:_L + _LH])
    b2 = _f32_to_bf16_bits(y[:, _L + _LH:])
    bm_ref[...] = b1 | (b2 << 16)


def _ab_matmul(x, wc):
    return pl.pallas_call(
        _mm_body,
        grid=(_N // _MB,),
        in_specs=[pl.BlockSpec((_MB, _IN), lambda i: (i, 0)),
                  pl.BlockSpec((_IN, 2 * _L), lambda i: (0, 0))],
        out_specs=[pl.BlockSpec((_MB, _L), lambda i: (i, 0)),
                   pl.BlockSpec((_MB, _LH), lambda i: (i, 0))],
        out_shape=[jax.ShapeDtypeStruct((_N, _L), jnp.float32),
                   jax.ShapeDtypeStruct((_N, _LH), jnp.int32)],
    )(x, wc)


_NW = 32
_EPW = _N * _K // _NW
_PPW = _N // _NW
_CH = 128
_NP = _EPW // (2 * _CH)


def _gather_body(table_hbm, idx_hbm, out_hbm, idx_v, rows_a, rows_b,
                 sem_a, sem_b):
    wid = lax.axis_index("s") * 2 + lax.axis_index("c")
    i0 = wid * _PPW
    for k in range(_K):
        pltpu.sync_copy(idx_hbm.at[pl.ds(k * _N + i0, _PPW)],
                        idx_v.at[pl.ds(k * _PPW, _PPW)])

    def dst(c):
        k = c // 2
        half = c - 2 * k
        return k * _N + i0 + half * _CH

    pltpu.async_copy(table_hbm.at[idx_v.at[pl.ds(0, _CH)]], rows_a, sem_a)

    def body(p, carry):
        c0 = 2 * p
        c1 = c0 + 1
        pltpu.make_async_copy(table_hbm.at[idx_v.at[pl.ds(0, _CH)]],
                              rows_a, sem_a).wait()
        pltpu.async_copy(table_hbm.at[idx_v.at[pl.ds(c1 * _CH, _CH)]],
                         rows_b, sem_b)
        pltpu.sync_copy(rows_a, out_hbm.at[pl.ds(dst(c0), _CH)])
        pltpu.make_async_copy(table_hbm.at[idx_v.at[pl.ds(0, _CH)]],
                              rows_b, sem_b).wait()

        @pl.when(p + 1 < _NP)
        def _next():
            pltpu.async_copy(table_hbm.at[idx_v.at[pl.ds((c0 + 2) * _CH, _CH)]],
                             rows_a, sem_a)

        pltpu.sync_copy(rows_b, out_hbm.at[pl.ds(dst(c1), _CH)])
        return carry

    lax.fori_loop(0, _NP, body, 0)


def _sc_gather(table, idx_flat):
    return pl.kernel(
        _gather_body,
        out_type=jax.ShapeDtypeStruct((_N * _K, _LH), jnp.int32),
        mesh=plsc.VectorSubcoreMesh(core_axis_name="c", subcore_axis_name="s"),
        scratch_types=[pltpu.VMEM((_EPW,), jnp.int32),
                       pltpu.VMEM((_CH, _LH), jnp.int32),
                       pltpu.VMEM((_CH, _LH), jnp.int32),
                       pltpu.SemaphoreType.DMA,
                       pltpu.SemaphoreType.DMA],
    )(table, idx_flat)


_PB4 = 128
_N4 = _N // _PB4


def _unpack_bf16x2(gk):
    lo = lax.bitcast_convert_type(gk << 16, jnp.float32)
    hi = lax.bitcast_convert_type(gk & jnp.int32(-65536), jnp.float32)
    return jnp.concatenate([lo, hi], axis=1)


def _bn_out_body(g_ref, a_ref, b_ref, gam_ref, bet_ref, o_ref,
                 acc1, acc2, st):
    i = pl.program_id(0)

    @pl.when(i == 0)
    def _init():
        acc1[...] = jnp.zeros((_PB4, _L), jnp.float32)
        acc2[...] = jnp.zeros((_PB4, _L), jnp.float32)

    a = a_ref[...] + b_ref[...]

    @pl.when(i < _N4)
    def _stats():
        gsum = jnp.zeros((_PB4, _L), jnp.float32)
        h2 = jnp.zeros((_PB4, _L), jnp.float32)
        for k in range(_K):
            gk = _unpack_bf16x2(g_ref[k])
            gsum = gsum + gk
            h = a + gk
            h2 = h2 + h * h
        acc1[...] += gsum + float(_K) * a
        acc2[...] += h2

    @pl.when(i == _N4)
    def _mkst():
        nk = float(_N * _K)
        mu = jnp.sum(acc1[...], axis=0, keepdims=True) * (1.0 / nk)
        var = jnp.sum(acc2[...], axis=0, keepdims=True) * (1.0 / nk) - mu * mu
        s = gam_ref[...] * lax.rsqrt(var + _EPS)
        st[0:1, :] = s
        st[1:2, :] = bet_ref[...] - mu * s

    @pl.when(i >= _N4)
    def _emit():
        s = st[0:1, :]
        t = st[1:2, :]
        u = a * s + t
        acc = jnp.zeros((_PB4, _L), jnp.float32)
        for k in range(_K):
            acc = acc + jnp.maximum(_unpack_bf16x2(g_ref[k]) * s + u, 0.0)
        o_ref[...] = acc * (1.0 / _K)


def _bn_out(g3, a, b2, gam2, bet2):
    return pl.pallas_call(
        _bn_out_body,
        grid=(2 * _N4,),
        in_specs=[pl.BlockSpec((_K, _PB4, _LH), lambda i: (0, i % _N4, 0)),
                  pl.BlockSpec((_PB4, _L), lambda i: (i % _N4, 0)),
                  pl.BlockSpec((1, _L), lambda i: (0, 0)),
                  pl.BlockSpec((1, _L), lambda i: (0, 0)),
                  pl.BlockSpec((1, _L), lambda i: (0, 0))],
        out_specs=pl.BlockSpec((_PB4, _L),
                               lambda i: (jnp.maximum(i - _N4, 0), 0)),
        out_shape=jax.ShapeDtypeStruct((_N, _L), jnp.float32),
        scratch_shapes=[pltpu.VMEM((_PB4, _L), jnp.float32),
                        pltpu.VMEM((_PB4, _L), jnp.float32),
                        pltpu.VMEM((8, _L), jnp.float32)],
    )(g3, a, b2, gam2, bet2)


def kernel(x, batch, W, b, gamma, beta):
    batch = batch.astype(jnp.int32)
    xt = x.T
    b_col = batch.reshape(_N, 1)
    b_row = batch.reshape(1, _N)

    bids = jnp.arange(_B, dtype=jnp.int32)
    starts = jnp.searchsorted(batch, bids, side="left").astype(jnp.int32)
    ends = jnp.searchsorted(batch, bids, side="right").astype(jnp.int32)
    bfirst = batch[::_RB]
    blast = batch[_RB - 1::_RB]
    jlo = (starts[bfirst] // _CT).astype(jnp.int32)
    jhi = ((ends[blast] - 1) // _CT).astype(jnp.int32)

    idx = _knn(x, xt, b_col, b_row, jlo, jhi)

    w2 = W[:, _IN:]
    wc = jnp.concatenate([(W[:, :_IN] - w2).T, w2.T], axis=1)
    a, bm = _ab_matmul(x, wc)

    g = _sc_gather(bm, idx.T.reshape(-1))
    g3 = g.reshape(_K, _N, _LH)

    return _bn_out(g3, a, b.reshape(1, _L), gamma.reshape(1, _L),
                   beta.reshape(1, _L))

# --- scband reference (transcript-rebuilt; emitter-appended) ---
"""Pipeline reference for scband-edge-conv-block-71880572666453 (READ-ONLY COPY).

The authoritative reference and input builder live on the scoring server;
editing this copy changes nothing except your own understanding.
"""

import jax, jax.numpy as jnp
import numpy as np

N = 8192
IN = 128
L = 256
K = 16
B = 8
EPS = 1e-5


def setup_inputs(seed: int = 0) -> dict:
    key = jax.random.key(seed)
    ks = jax.random.split(key, 6)
    x = jax.random.normal(ks[0], (N, IN), dtype=jnp.float32)
    batch = jnp.sort(jax.random.randint(ks[1], (N,), 0, B))
    W = jax.random.normal(ks[2], (L, 2 * IN), dtype=jnp.float32) * (1.0 / np.sqrt(2 * IN))
    b = jnp.zeros((L,), dtype=jnp.float32)
    gamma = jnp.ones((L,), dtype=jnp.float32)
    beta = jnp.zeros((L,), dtype=jnp.float32)
    return {"x": x, "batch": batch, "W": W, "b": b, "gamma": gamma, "beta": beta}


def _knn_idx(x, batch, k):
    # batched knn: pairwise squared distances, masked across different clouds
    sq = jnp.sum(x * x, axis=1)
    d = sq[:, None] + sq[None, :] - 2.0 * (x @ x.T)
    mask = batch[:, None] != batch[None, :]
    d = jnp.where(mask, jnp.inf, d)
    _, idx = jax.lax.top_k(-d, k)  # [N, K] includes self (dist 0), like PyG knn
    return idx


def reference(x, batch, W, b, gamma, beta):
    # DynamicEdgeConv(nn=Linear(2*IN,L)+BN+ReLU, k=K, aggr='mean')
    idx = _knn_idx(x, batch, K)                       # neighbors j for each query i
    x_j = jnp.take(x, idx, axis=0)                    # [N, K, IN]
    x_i = jnp.broadcast_to(x[:, None, :], (N, K, IN))
    feat = jnp.concatenate([x_i, x_j - x_i], axis=-1) # [N, K, 2*IN]
    h = feat.reshape(N * K, 2 * IN) @ W.T + b         # [N*K, L]
    # BatchNorm1d in training mode: biased batch stats over all edges
    mu = jnp.mean(h, axis=0)
    var = jnp.var(h, axis=0)
    hn = (h - mu) / jnp.sqrt(var + EPS) * gamma + beta
    hr = jax.nn.relu(hn)
    out = hr.reshape(N, K, L).mean(axis=1)            # mean aggregation over k neighbors
    return out

if __name__ == "__main__":
    import jax
    _d = setup_inputs()
    print(jax.jit(kernel)(*tuple(_d.values())))

</pallas_src>

<mosaic_0001>
#map = affine_map<(d0, d1) -> (0, 0)>
#map1 = affine_map<(d0, d1) -> (0)>
module attributes {stable_mosaic.version = 14 : i64} {
  func.func @_gather_body(%arg0: i32, %arg1: i32, %arg2: memref<8192x128xi32, #tpu.memory_space<hbm>>, %arg3: memref<131072xi32, #tpu.memory_space<hbm>>, %arg4: memref<131072x128xi32, #tpu.memory_space<hbm>>, %arg5: memref<4096xi32, #tpu.memory_space<vmem>>, %arg6: memref<128x128xi32, #tpu.memory_space<vmem>>, %arg7: memref<128x128xi32, #tpu.memory_space<vmem>>, %arg8: memref<!tpu.dma_semaphore, #tpu.memory_space<semaphore_mem>>, %arg9: memref<!tpu.dma_semaphore, #tpu.memory_space<semaphore_mem>>) attributes {dimension_semantics = [#tpu.dimension_semantics<core_parallel>, #tpu.dimension_semantics<subcore_parallel>], iteration_bounds = array<i64: 2, 16>, scalar_prefetch = 0 : i64, scratch_operands = 5 : i64, tpu.core_type = #tpu.core_type<sc_vector_subcore>, window_params = [{transform_indices = #map}, {transform_indices = #map1}, {transform_indices = #map}]} {
    %mul3A = arith.constant 2 : i32
    %mul3A_0 = arith.muli %arg1, %mul3A : i32
    %add3A = arith.addi %mul3A_0, %arg0 : i32
    %mul3A_1 = arith.constant 256 : i32
    %mul3A_2 = arith.muli %add3A, %mul3A_1 : i32
    %add3A_3 = arith.constant 0 : i32
    %add3A_4 = arith.addi %add3A_3, %mul3A_2 : i32
    "tpu.region"() ({
      %run_scoped3A = tpu.sem_alloc : memref<!tpu.dma_semaphore, #tpu.memory_space<semaphore_mem>>
      %dma_start3A_44 = arith.constant 0 : i32
      %dma_start3A_45 = tpu.memref_slice %arg5[%dma_start3A_44] : memref<4096xi32, #tpu.memory_space<vmem>> -> memref<256xi32, #tpu.memory_space<vmem>>
      %dma_start3A_46 = tpu.memref_slice %arg3[%add3A_4] : memref<131072xi32, #tpu.memory_space<hbm>> -> memref<256xi32, #tpu.memory_space<hbm>>
      %dma_start3A_47 = arith.constant 0 : i32
      %dma_start3A_48 = tpu.memref_slice %arg5[%dma_start3A_47] : memref<4096xi32, #tpu.memory_space<vmem>> -> memref<256xi32, #tpu.memory_space<vmem>>
      %dma_start3A_49 = tpu.memref_slice %arg3[%add3A_4] : memref<131072xi32, #tpu.memory_space<hbm>> -> memref<256xi32, #tpu.memory_space<hbm>>
      tpu.enqueue_dma source(%dma_start3A_49 : memref<256xi32, #tpu.memory_space<hbm>>) target(%dma_start3A_48 : memref<256xi32, #tpu.memory_space<vmem>>) target_semaphore(%run_scoped3A : memref<!tpu.dma_semaphore, #tpu.memory_space<semaphore_mem>>)
      %dma_wait3A = arith.constant 0 : i32
      %dma_wait3A_50 = tpu.memref_slice %arg5[%dma_wait3A] : memref<4096xi32, #tpu.memory_space<vmem>> -> memref<256xi32, #tpu.memory_space<vmem>>
      %dma_wait3A_51 = tpu.memref_slice %arg3[%add3A_4] : memref<131072xi32, #tpu.memory_space<hbm>> -> memref<256xi32, #tpu.memory_space<hbm>>
      %dma_wait3A_52 = arith.constant 0 : i32
      %dma_wait3A_53 = tpu.memref_slice %arg5[%dma_wait3A_52] : memref<4096xi32, #tpu.memory_space<vmem>> -> memref<256xi32, #tpu.memory_space<vmem>>
      %dma_wait3A_54 = tpu.memref_slice %arg3[%add3A_4] : memref<131072xi32, #tpu.memory_space<hbm>> -> memref<256xi32, #tpu.memory_space<hbm>>
      tpu.wait_dma2 semaphore(%run_scoped3A : memref<!tpu.dma_semaphore, #tpu.memory_space<semaphore_mem>>) src(%dma_wait3A_54 : memref<256xi32, #tpu.memory_space<hbm>>) dst(%dma_wait3A_53 : memref<256xi32, #tpu.memory_space<vmem>>)
      tpu.yield
    }) : () -> ()
    %add3A_5 = arith.constant 8192 : i32
    %add3A_6 = arith.addi %add3A_5, %mul3A_2 : i32
    "tpu.region"() ({
      %run_scoped3A = tpu.sem_alloc : memref<!tpu.dma_semaphore, #tpu.memory_space<semaphore_mem>>
      %dma_start3A_44 = arith.constant 256 : i32
      %dma_start3A_45 = tpu.memref_slice %arg5[%dma_start3A_44] : memref<4096xi32, #tpu.memory_space<vmem>> -> memref<256xi32, #tpu.memory_space<vmem>>
      %dma_start3A_46 = tpu.memref_slice %arg3[%add3A_6] : memref<131072xi32, #tpu.memory_space<hbm>> -> memref<256xi32, #tpu.memory_space<hbm>>
      %dma_start3A_47 = arith.constant 256 : i32
      %dma_start3A_48 = tpu.memref_slice %arg5[%dma_start3A_47] : memref<4096xi32, #tpu.memory_space<vmem>> -> memref<256xi32, #tpu.memory_space<vmem>>
      %dma_start3A_49 = tpu.memref_slice %arg3[%add3A_6] : memref<131072xi32, #tpu.memory_space<hbm>> -> memref<256xi32, #tpu.memory_space<hbm>>
      tpu.enqueue_dma source(%dma_start3A_49 : memref<256xi32, #tpu.memory_space<hbm>>) target(%dma_start3A_48 : memref<256xi32, #tpu.memory_space<vmem>>) target_semaphore(%run_scoped3A : memref<!tpu.dma_semaphore, #tpu.memory_space<semaphore_mem>>)
      %dma_wait3A = arith.constant 256 : i32
      %dma_wait3A_50 = tpu.memref_slice %arg5[%dma_wait3A] : memref<4096xi32, #tpu.memory_space<vmem>> -> memref<256xi32, #tpu.memory_space<vmem>>
      %dma_wait3A_51 = tpu.memref_slice %arg3[%add3A_6] : memref<131072xi32, #tpu.memory_space<hbm>> -> memref<256xi32, #tpu.memory_space<hbm>>
      %dma_wait3A_52 = arith.constant 256 : i32
      %dma_wait3A_53 = tpu.memref_slice %arg5[%dma_wait3A_52] : memref<4096xi32, #tpu.memory_space<vmem>> -> memref<256xi32, #tpu.memory_space<vmem>>
      %dma_wait3A_54 = tpu.memref_slice %arg3[%add3A_6] : memref<131072xi32, #tpu.memory_space<hbm>> -> memref<256xi32, #tpu.memory_space<hbm>>
      tpu.wait_dma2 semaphore(%run_scoped3A : memref<!tpu.dma_semaphore, #tpu.memory_space<semaphore_mem>>) src(%dma_wait3A_54 : memref<256xi32, #tpu.memory_space<hbm>>) dst(%dma_wait3A_53 : memref<256xi32, #tpu.memory_space<vmem>>)
      tpu.yield
    }) : () -> ()
    %add3A_7 = arith.constant 16384 : i32
    %add3A_8 = arith.addi %add3A_7, %mul3A_2 : i32
    "tpu.region"() ({
      %run_scoped3A = tpu.sem_alloc : memref<!tpu.dma_semaphore, #tpu.memory_space<semaphore_mem>>
      %dma_start3A_44 = arith.constant 512 : i32
      %dma_start3A_45 = tpu.memref_slice %arg5[%dma_start3A_44] : memref<4096xi32, #tpu.memory_space<vmem>> -> memref<256xi32, #tpu.memory_space<vmem>>
      %dma_start3A_46 = tpu.memref_slice %arg3[%add3A_8] : memref<131072xi32, #tpu.memory_space<hbm>> -> memref<256xi32, #tpu.memory_space<hbm>>
      %dma_start3A_47 = arith.constant 512 : i32
      %dma_start3A_48 = tpu.memref_slice %arg5[%dma_start3A_47] : memref<4096xi32, #tpu.memory_space<vmem>> -> memref<256xi32, #tpu.memory_space<vmem>>
      %dma_start3A_49 = tpu.memref_slice %arg3[%add3A_8] : memref<131072xi32, #tpu.memory_space<hbm>> -> memref<256xi32, #tpu.memory_space<hbm>>
      tpu.enqueue_dma source(%dma_start3A_49 : memref<256xi32, #tpu.memory_space<hbm>>) target(%dma_start3A_48 : memref<256xi32, #tpu.memory_space<vmem>>) target_semaphore(%run_scoped3A : memref<!tpu.dma_semaphore, #tpu.memory_space<semaphore_mem>>)
      %dma_wait3A = arith.constant 512 : i32
      %dma_wait3A_50 = tpu.memref_slice %arg5[%dma_wait3A] : memref<4096xi32, #tpu.memory_space<vmem>> -> memref<256xi32, #tpu.memory_space<vmem>>
      %dma_wait3A_51 = tpu.memref_slice %arg3[%add3A_8] : memref<131072xi32, #tpu.memory_space<hbm>> -> memref<256xi32, #tpu.memory_space<hbm>>
      %dma_wait3A_52 = arith.constant 512 : i32
      %dma_wait3A_53 = tpu.memref_slice %arg5[%dma_wait3A_52] : memref<4096xi32, #tpu.memory_space<vmem>> -> memref<256xi32, #tpu.memory_space<vmem>>
      %dma_wait3A_54 = tpu.memref_slice %arg3[%add3A_8] : memref<131072xi32, #tpu.memory_space<hbm>> -> memref<256xi32, #tpu.memory_space<hbm>>
      tpu.wait_dma2 semaphore(%run_scoped3A : memref<!tpu.dma_semaphore, #tpu.memory_space<semaphore_mem>>) src(%dma_wait3A_54 : memref<256xi32, #tpu.memory_space<hbm>>) dst(%dma_wait3A_53 : memref<256xi32, #tpu.memory_space<vmem>>)
      tpu.yield
    }) : () -> ()
    %add3A_9 = arith.constant 24576 : i32
    %add3A_10 = arith.addi %add3A_9, %mul3A_2 : i32
    "tpu.region"() ({
      %run_scoped3A = tpu.sem_alloc : memref<!tpu.dma_semaphore, #tpu.memory_space<semaphore_mem>>
      %dma_start3A_44 = arith.constant 768 : i32
      %dma_start3A_45 = tpu.memref_slice %arg5[%dma_start3A_44] : memref<4096xi32, #tpu.memory_space<vmem>> -> memref<256xi32, #tpu.memory_space<vmem>>
      %dma_start3A_46 = tpu.memref_slice %arg3[%add3A_10] : memref<131072xi32, #tpu.memory_space<hbm>> -> memref<256xi32, #tpu.memory_space<hbm>>
      %dma_start3A_47 = arith.constant 768 : i32
      %dma_start3A_48 = tpu.memref_slice %arg5[%dma_start3A_47] : memref<4096xi32, #tpu.memory_space<vmem>> -> memref<256xi32, #tpu.memory_space<vmem>>
      %dma_start3A_49 = tpu.memref_slice %arg3[%add3A_10] : memref<131072xi32, #tpu.memory_space<hbm>> -> memref<256xi32, #tpu.memory_space<hbm>>
      tpu.enqueue_dma source(%dma_start3A_49 : memref<256xi32, #tpu.memory_space<hbm>>) target(%dma_start3A_48 : memref<256xi32, #tpu.memory_space<vmem>>) target_semaphore(%run_scoped3A : memref<!tpu.dma_semaphore, #tpu.memory_space<semaphore_mem>>)
      %dma_wait3A = arith.constant 768 : i32
      %dma_wait3A_50 = tpu.memref_slice %arg5[%dma_wait3A] : memref<4096xi32, #tpu.memory_space<vmem>> -> memref<256xi32, #tpu.memory_space<vmem>>
      %dma_wait3A_51 = tpu.memref_slice %arg3[%add3A_10] : memref<131072xi32, #tpu.memory_space<hbm>> -> memref<256xi32, #tpu.memory_space<hbm>>
      %dma_wait3A_52 = arith.constant 768 : i32
      %dma_wait3A_53 = tpu.memref_slice %arg5[%dma_wait3A_52] : memref<4096xi32, #tpu.memory_space<vmem>> -> memref<256xi32, #tpu.memory_space<vmem>>
      %dma_wait3A_54 = tpu.memref_slice %arg3[%add3A_10] : memref<131072xi32, #tpu.memory_space<hbm>> -> memref<256xi32, #tpu.memory_space<hbm>>
      tpu.wait_dma2 semaphore(%run_scoped3A : memref<!tpu.dma_semaphore, #tpu.memory_space<semaphore_mem>>) src(%dma_wait3A_54 : memref<256xi32, #tpu.memory_space<hbm>>) dst(%dma_wait3A_53 : memref<256xi32, #tpu.memory_space<vmem>>)
      tpu.yield
    }) : () -> ()
    %add3A_11 = arith.constant 32768 : i32
    %add3A_12 = arith.addi %add3A_11, %mul3A_2 : i32
    "tpu.region"() ({
      %run_scoped3A = tpu.sem_alloc : memref<!tpu.dma_semaphore, #tpu.memory_space<semaphore_mem>>
      %dma_start3A_44 = arith.constant 1024 : i32
      %dma_start3A_45 = tpu.memref_slice %arg5[%dma_start3A_44] : memref<4096xi32, #tpu.memory_space<vmem>> -> memref<256xi32, #tpu.memory_space<vmem>>
      %dma_start3A_46 = tpu.memref_slice %arg3[%add3A_12] : memref<131072xi32, #tpu.memory_space<hbm>> -> memref<256xi32, #tpu.memory_space<hbm>>
      %dma_start3A_47 = arith.constant 1024 : i32
      %dma_start3A_48 = tpu.memref_slice %arg5[%dma_start3A_47] : memref<4096xi32, #tpu.memory_space<vmem>> -> memref<256xi32, #tpu.memory_space<vmem>>
      %dma_start3A_49 = tpu.memref_slice %arg3[%add3A_12] : memref<131072xi32, #tpu.memory_space<hbm>> -> memref<256xi32, #tpu.memory_space<hbm>>
      tpu.enqueue_dma source(%dma_start3A_49 : memref<256xi32, #tpu.memory_space<hbm>>) target(%dma_start3A_48 : memref<256xi32, #tpu.memory_space<vmem>>) target_semaphore(%run_scoped3A : memref<!tpu.dma_semaphore, #tpu.memory_space<semaphore_mem>>)
      %dma_wait3A = arith.constant 1024 : i32
      %dma_wait3A_50 = tpu.memref_slice %arg5[%dma_wait3A] : memref<4096xi32, #tpu.memory_space<vmem>> -> memref<256xi32, #tpu.memory_space<vmem>>
      %dma_wait3A_51 = tpu.memref_slice %arg3[%add3A_12] : memref<131072xi32, #tpu.memory_space<hbm>> -> memref<256xi32, #tpu.memory_space<hbm>>
      %dma_wait3A_52 = arith.constant 1024 : i32
      %dma_wait3A_53 = tpu.memref_slice %arg5[%dma_wait3A_52] : memref<4096xi32, #tpu.memory_space<vmem>> -> memref<256xi32, #tpu.memory_space<vmem>>
      %dma_wait3A_54 = tpu.memref_slice %arg3[%add3A_12] : memref<131072xi32, #tpu.memory_space<hbm>> -> memref<256xi32, #tpu.memory_space<hbm>>
      tpu.wait_dma2 semaphore(%run_scoped3A : memref<!tpu.dma_semaphore, #tpu.memory_space<semaphore_mem>>) src(%dma_wait3A_54 : memref<256xi32, #tpu.memory_space<hbm>>) dst(%dma_wait3A_53 : memref<256xi32, #tpu.memory_space<vmem>>)
      tpu.yield
    }) : () -> ()
    %add3A_13 = arith.constant 40960 : i32
    %add3A_14 = arith.addi %add3A_13, %mul3A_2 : i32
    "tpu.region"() ({
      %run_scoped3A = tpu.sem_alloc : memref<!tpu.dma_semaphore, #tpu.memory_space<semaphore_mem>>
      %dma_start3A_44 = arith.constant 1280 : i32
      %dma_start3A_45 = tpu.memref_slice %arg5[%dma_start3A_44] : memref<4096xi32, #tpu.memory_space<vmem>> -> memref<256xi32, #tpu.memory_space<vmem>>
      %dma_start3A_46 = tpu.memref_slice %arg3[%add3A_14] : memref<131072xi32, #tpu.memory_space<hbm>> -> memref<256xi32, #tpu.memory_space<hbm>>
      %dma_start3A_47 = arith.constant 1280 : i32
      %dma_start3A_48 = tpu.memref_slice %arg5[%dma_start3A_47] : memref<4096xi32, #tpu.memory_space<vmem>> -> memref<256xi32, #tpu.memory_space<vmem>>
      %dma_start3A_49 = tpu.memref_slice %arg3[%add3A_14] : memref<131072xi32, #tpu.memory_space<hbm>> -> memref<256xi32, #tpu.memory_space<hbm>>
      tpu.enqueue_dma source(%dma_start3A_49 : memref<256xi32, #tpu.memory_space<hbm>>) target(%dma_start3A_48 : memref<256xi32, #tpu.memory_space<vmem>>) target_semaphore(%run_scoped3A : memref<!tpu.dma_semaphore, #tpu.memory_space<semaphore_mem>>)
      %dma_wait3A = arith.constant 1280 : i32
      %dma_wait3A_50 = tpu.memref_slice %arg5[%dma_wait3A] : memref<4096xi32, #tpu.memory_space<vmem>> -> memref<256xi32, #tpu.memory_space<vmem>>
      %dma_wait3A_51 = tpu.memref_slice %arg3[%add3A_14] : memref<131072xi32, #tpu.memory_space<hbm>> -> memref<256xi32, #tpu.memory_space<hbm>>
      %dma_wait3A_52 = arith.constant 1280 : i32
      %dma_wait3A_53 = tpu.memref_slice %arg5[%dma_wait3A_52] : memref<4096xi32, #tpu.memory_space<vmem>> -> memref<256xi32, #tpu.memory_space<vmem>>
      %dma_wait3A_54 = tpu.memref_slice %arg3[%add3A_14] : memref<131072xi32, #tpu.memory_space<hbm>> -> memref<256xi32, #tpu.memory_space<hbm>>
      tpu.wait_dma2 semaphore(%run_scoped3A : memref<!tpu.dma_semaphore, #tpu.memory_space<semaphore_mem>>) src(%dma_wait3A_54 : memref<256xi32, #tpu.memory_space<hbm>>) dst(%dma_wait3A_53 : memref<256xi32, #tpu.memory_space<vmem>>)
      tpu.yield
    }) : () -> ()
    %add3A_15 = arith.constant 49152 : i32
    %add3A_16 = arith.addi %add3A_15, %mul3A_2 : i32
    "tpu.region"() ({
      %run_scoped3A = tpu.sem_alloc : memref<!tpu.dma_semaphore, #tpu.memory_space<semaphore_mem>>
      %dma_start3A_44 = arith.constant 1536 : i32
      %dma_start3A_45 = tpu.memref_slice %arg5[%dma_start3A_44] : memref<4096xi32, #tpu.memory_space<vmem>> -> memref<256xi32, #tpu.memory_space<vmem>>
      %dma_start3A_46 = tpu.memref_slice %arg3[%add3A_16] : memref<131072xi32, #tpu.memory_space<hbm>> -> memref<256xi32, #tpu.memory_space<hbm>>
      %dma_start3A_47 = arith.constant 1536 : i32
      %dma_start3A_48 = tpu.memref_slice %arg5[%dma_start3A_47] : memref<4096xi32, #tpu.memory_space<vmem>> -> memref<256xi32, #tpu.memory_space<vmem>>
      %dma_start3A_49 = tpu.memref_slice %arg3[%add3A_16] : memref<131072xi32, #tpu.memory_space<hbm>> -> memref<256xi32, #tpu.memory_space<hbm>>
      tpu.enqueue_dma source(%dma_start3A_49 : memref<256xi32, #tpu.memory_space<hbm>>) target(%dma_start3A_48 : memref<256xi32, #tpu.memory_space<vmem>>) target_semaphore(%run_scoped3A : memref<!tpu.dma_semaphore, #tpu.memory_space<semaphore_mem>>)
      %dma_wait3A = arith.constant 1536 : i32
      %dma_wait3A_50 = tpu.memref_slice %arg5[%dma_wait3A] : memref<4096xi32, #tpu.memory_space<vmem>> -> memref<256xi32, #tpu.memory_space<vmem>>
      %dma_wait3A_51 = tpu.memref_slice %arg3[%add3A_16] : memref<131072xi32, #tpu.memory_space<hbm>> -> memref<256xi32, #tpu.memory_space<hbm>>
      %dma_wait3A_52 = arith.constant 1536 : i32
      %dma_wait3A_53 = tpu.memref_slice %arg5[%dma_wait3A_52] : memref<4096xi32, #tpu.memory_space<vmem>> -> memref<256xi32, #tpu.memory_space<vmem>>
      %dma_wait3A_54 = tpu.memref_slice %arg3[%add3A_16] : memref<131072xi32, #tpu.memory_space<hbm>> -> memref<256xi32, #tpu.memory_space<hbm>>
      tpu.wait_dma2 semaphore(%run_scoped3A : memref<!tpu.dma_semaphore, #tpu.memory_space<semaphore_mem>>) src(%dma_wait3A_54 : memref<256xi32, #tpu.memory_space<hbm>>) dst(%dma_wait3A_53 : memref<256xi32, #tpu.memory_space<vmem>>)
      tpu.yield
    }) : () -> ()
    %add3A_17 = arith.constant 57344 : i32
    %add3A_18 = arith.addi %add3A_17, %mul3A_2 : i32
    "tpu.region"() ({
      %run_scoped3A = tpu.sem_alloc : memref<!tpu.dma_semaphore, #tpu.memory_space<semaphore_mem>>
      %dma_start3A_44 = arith.constant 1792 : i32
      %dma_start3A_45 = tpu.memref_slice %arg5[%dma_start3A_44] : memref<4096xi32, #tpu.memory_space<vmem>> -> memref<256xi32, #tpu.memory_space<vmem>>
      %dma_start3A_46 = tpu.memref_slice %arg3[%add3A_18] : memref<131072xi32, #tpu.memory_space<hbm>> -> memref<256xi32, #tpu.memory_space<hbm>>
      %dma_start3A_47 = arith.constant 1792 : i32
      %dma_start3A_48 = tpu.memref_slice %arg5[%dma_start3A_47] : memref<4096xi32, #tpu.memory_space<vmem>> -> memref<256xi32, #tpu.memory_space<vmem>>
      %dma_start3A_49 = tpu.memref_slice %arg3[%add3A_18] : memref<131072xi32, #tpu.memory_space<hbm>> -> memref<256xi32, #tpu.memory_space<hbm>>
      tpu.enqueue_dma source(%dma_start3A_49 : memref<256xi32, #tpu.memory_space<hbm>>) target(%dma_start3A_48 : memref<256xi32, #tpu.memory_space<vmem>>) target_semaphore(%run_scoped3A : memref<!tpu.dma_semaphore, #tpu.memory_space<semaphore_mem>>)
      %dma_wait3A = arith.constant 1792 : i32
      %dma_wait3A_50 = tpu.memref_slice %arg5[%dma_wait3A] : memref<4096xi32, #tpu.memory_space<vmem>> -> memref<256xi32, #tpu.memory_space<vmem>>
      %dma_wait3A_51 = tpu.memref_slice %arg3[%add3A_18] : memref<131072xi32, #tpu.memory_space<hbm>> -> memref<256xi32, #tpu.memory_space<hbm>>
      %dma_wait3A_52 = arith.constant 1792 : i32
      %dma_wait3A_53 = tpu.memref_slice %arg5[%dma_wait3A_52] : memref<4096xi32, #tpu.memory_space<vmem>> -> memref<256xi32, #tpu.memory_space<vmem>>
      %dma_wait3A_54 = tpu.memref_slice %arg3[%add3A_18] : memref<131072xi32, #tpu.memory_space<hbm>> -> memref<256xi32, #tpu.memory_space<hbm>>
      tpu.wait_dma2 semaphore(%run_scoped3A : memref<!tpu.dma_semaphore, #tpu.memory_space<semaphore_mem>>) src(%dma_wait3A_54 : memref<256xi32, #tpu.memory_space<hbm>>) dst(%dma_wait3A_53 : memref<256xi32, #tpu.memory_space<vmem>>)
      tpu.yield
    }) : () -> ()
    %add3A_19 = arith.constant 65536 : i32
    %add3A_20 = arith.addi %add3A_19, %mul3A_2 : i32
    "tpu.region"() ({
      %run_scoped3A = tpu.sem_alloc : memref<!tpu.dma_semaphore, #tpu.memory_space<semaphore_mem>>
      %dma_start3A_44 = arith.constant 2048 : i32
      %dma_start3A_45 = tpu.memref_slice %arg5[%dma_start3A_44] : memref<4096xi32, #tpu.memory_space<vmem>> -> memref<256xi32, #tpu.memory_space<vmem>>
      %dma_start3A_46 = tpu.memref_slice %arg3[%add3A_20] : memref<131072xi32, #tpu.memory_space<hbm>> -> memref<256xi32, #tpu.memory_space<hbm>>
      %dma_start3A_47 = arith.constant 2048 : i32
      %dma_start3A_48 = tpu.memref_slice %arg5[%dma_start3A_47] : memref<4096xi32, #tpu.memory_space<vmem>> -> memref<256xi32, #tpu.memory_space<vmem>>
      %dma_start3A_49 = tpu.memref_slice %arg3[%add3A_20] : memref<131072xi32, #tpu.memory_space<hbm>> -> memref<256xi32, #tpu.memory_space<hbm>>
      tpu.enqueue_dma source(%dma_start3A_49 : memref<256xi32, #tpu.memory_space<hbm>>) target(%dma_start3A_48 : memref<256xi32, #tpu.memory_space<vmem>>) target_semaphore(%run_scoped3A : memref<!tpu.dma_semaphore, #tpu.memory_space<semaphore_mem>>)
      %dma_wait3A = arith.constant 2048 : i32
      %dma_wait3A_50 = tpu.memref_slice %arg5[%dma_wait3A] : memref<4096xi32, #tpu.memory_space<vmem>> -> memref<256xi32, #tpu.memory_space<vmem>>
      %dma_wait3A_51 = tpu.memref_slice %arg3[%add3A_20] : memref<131072xi32, #tpu.memory_space<hbm>> -> memref<256xi32, #tpu.memory_space<hbm>>
      %dma_wait3A_52 = arith.constant 2048 : i32
      %dma_wait3A_53 = tpu.memref_slice %arg5[%dma_wait3A_52] : memref<4096xi32, #tpu.memory_space<vmem>> -> memref<256xi32, #tpu.memory_space<vmem>>
      %dma_wait3A_54 = tpu.memref_slice %arg3[%add3A_20] : memref<131072xi32, #tpu.memory_space<hbm>> -> memref<256xi32, #tpu.memory_space<hbm>>
      tpu.wait_dma2 semaphore(%run_scoped3A : memref<!tpu.dma_semaphore, #tpu.memory_space<semaphore_mem>>) src(%dma_wait3A_54 : memref<256xi32, #tpu.memory_space<hbm>>) dst(%dma_wait3A_53 : memref<256xi32, #tpu.memory_space<vmem>>)
      tpu.yield
    }) : () -> ()
    %add3A_21 = arith.constant 73728 : i32
    %add3A_22 = arith.addi %add3A_21, %mul3A_2 : i32
    "tpu.region"() ({
      %run_scoped3A = tpu.sem_alloc : memref<!tpu.dma_semaphore, #tpu.memory_space<semaphore_mem>>
      %dma_start3A_44 = arith.constant 2304 : i32
      %dma_start3A_45 = tpu.memref_slice %arg5[%dma_start3A_44] : memref<4096xi32, #tpu.memory_space<vmem>> -> memref<256xi32, #tpu.memory_space<vmem>>
      %dma_start3A_46 = tpu.memref_slice %arg3[%add3A_22] : memref<131072xi32, #tpu.memory_space<hbm>> -> memref<256xi32, #tpu.memory_space<hbm>>
      %dma_start3A_47 = arith.constant 2304 : i32
      %dma_start3A_48 = tpu.memref_slice %arg5[%dma_start3A_47] : memref<4096xi32, #tpu.memory_space<vmem>> -> memref<256xi32, #tpu.memory_space<vmem>>
      %dma_start3A_49 = tpu.memref_slice %arg3[%add3A_22] : memref<131072xi32, #tpu.memory_space<hbm>> -> memref<256xi32, #tpu.memory_space<hbm>>
      tpu.enqueue_dma source(%dma_start3A_49 : memref<256xi32, #tpu.memory_space<hbm>>) target(%dma_start3A_48 : memref<256xi32, #tpu.memory_space<vmem>>) target_semaphore(%run_scoped3A : memref<!tpu.dma_semaphore, #tpu.memory_space<semaphore_mem>>)
      %dma_wait3A = arith.constant 2304 : i32
      %dma_wait3A_50 = tpu.memref_slice %arg5[%dma_wait3A] : memref<4096xi32, #tpu.memory_space<vmem>> -> memref<256xi32, #tpu.memory_space<vmem>>
      %dma_wait3A_51 = tpu.memref_slice %arg3[%add3A_22] : memref<131072xi32, #tpu.memory_space<hbm>> -> memref<256xi32, #tpu.memory_space<hbm>>
      %dma_wait3A_52 = arith.constant 2304 : i32
      %dma_wait3A_53 = tpu.memref_slice %arg5[%dma_wait3A_52] : memref<4096xi32, #tpu.memory_space<vmem>> -> memref<256xi32, #tpu.memory_space<vmem>>
      %dma_wait3A_54 = tpu.memref_slice %arg3[%add3A_22] : memref<131072xi32, #tpu.memory_space<hbm>> -> memref<256xi32, #tpu.memory_space<hbm>>
      tpu.wait_dma2 semaphore(%run_scoped3A : memref<!tpu.dma_semaphore, #tpu.memory_space<semaphore_mem>>) src(%dma_wait3A_54 : memref<256xi32, #tpu.memory_space<hbm>>) dst(%dma_wait3A_53 : memref<256xi32, #tpu.memory_space<vmem>>)
      tpu.yield
    }) : () -> ()
    %add3A_23 = arith.constant 81920 : i32
    %add3A_24 = arith.addi %add3A_23, %mul3A_2 : i32
    "tpu.region"() ({
      %run_scoped3A = tpu.sem_alloc : memref<!tpu.dma_semaphore, #tpu.memory_space<semaphore_mem>>
      %dma_start3A_44 = arith.constant 2560 : i32
      %dma_start3A_45 = tpu.memref_slice %arg5[%dma_start3A_44] : memref<4096xi32, #tpu.memory_space<vmem>> -> memref<256xi32, #tpu.memory_space<vmem>>
      %dma_start3A_46 = tpu.memref_slice %arg3[%add3A_24] : memref<131072xi32, #tpu.memory_space<hbm>> -> memref<256xi32, #tpu.memory_space<hbm>>
      %dma_start3A_47 = arith.constant 2560 : i32
      %dma_start3A_48 = tpu.memref_slice %arg5[%dma_start3A_47] : memref<4096xi32, #tpu.memory_space<vmem>> -> memref<256xi32, #tpu.memory_space<vmem>>
      %dma_start3A_49 = tpu.memref_slice %arg3[%add3A_24] : memref<131072xi32, #tpu.memory_space<hbm>> -> memref<256xi32, #tpu.memory_space<hbm>>
      tpu.enqueue_dma source(%dma_start3A_49 : memref<256xi32, #tpu.memory_space<hbm>>) target(%dma_start3A_48 : memref<256xi32, #tpu.memory_space<vmem>>) target_semaphore(%run_scoped3A : memref<!tpu.dma_semaphore, #tpu.memory_space<semaphore_mem>>)
      %dma_wait3A = arith.constant 2560 : i32
      %dma_wait3A_50 = tpu.memref_slice %arg5[%dma_wait3A] : memref<4096xi32, #tpu.memory_space<vmem>> -> memref<256xi32, #tpu.memory_space<vmem>>
      %dma_wait3A_51 = tpu.memref_slice %arg3[%add3A_24] : memref<131072xi32, #tpu.memory_space<hbm>> -> memref<256xi32, #tpu.memory_space<hbm>>
      %dma_wait3A_52 = arith.constant 2560 : i32
      %dma_wait3A_53 = tpu.memref_slice %arg5[%dma_wait3A_52] : memref<4096xi32, #tpu.memory_space<vmem>> -> memref<256xi32, #tpu.memory_space<vmem>>
      %dma_wait3A_54 = tpu.memref_slice %arg3[%add3A_24] : memref<131072xi32, #tpu.memory_space<hbm>> -> memref<256xi32, #tpu.memory_space<hbm>>
      tpu.wait_dma2 semaphore(%run_scoped3A : memref<!tpu.dma_semaphore, #tpu.memory_space<semaphore_mem>>) src(%dma_wait3A_54 : memref<256xi32, #tpu.memory_space<hbm>>) dst(%dma_wait3A_53 : memref<256xi32, #tpu.memory_space<vmem>>)
      tpu.yield
    }) : () -> ()
    %add3A_25 = arith.constant 90112 : i32
    %add3A_26 = arith.addi %add3A_25, %mul3A_2 : i32
    "tpu.region"() ({
      %run_scoped3A = tpu.sem_alloc : memref<!tpu.dma_semaphore, #tpu.memory_space<semaphore_mem>>
      %dma_start3A_44 = arith.constant 2816 : i32
      %dma_start3A_45 = tpu.memref_slice %arg5[%dma_start3A_44] : memref<4096xi32, #tpu.memory_space<vmem>> -> memref<256xi32, #tpu.memory_space<vmem>>
      %dma_start3A_46 = tpu.memref_slice %arg3[%add3A_26] : memref<131072xi32, #tpu.memory_space<hbm>> -> memref<256xi32, #tpu.memory_space<hbm>>
      %dma_start3A_47 = arith.constant 2816 : i32
      %dma_start3A_48 = tpu.memref_slice %arg5[%dma_start3A_47] : memref<4096xi32, #tpu.memory_space<vmem>> -> memref<256xi32, #tpu.memory_space<vmem>>
      %dma_start3A_49 = tpu.memref_slice %arg3[%add3A_26] : memref<131072xi32, #tpu.memory_space<hbm>> -> memref<256xi32, #tpu.memory_space<hbm>>
      tpu.enqueue_dma source(%dma_start3A_49 : memref<256xi32, #tpu.memory_space<hbm>>) target(%dma_start3A_48 : memref<256xi32, #tpu.memory_space<vmem>>) target_semaphore(%run_scoped3A : memref<!tpu.dma_semaphore, #tpu.memory_space<semaphore_mem>>)
      %dma_wait3A = arith.constant 2816 : i32
      %dma_wait3A_50 = tpu.memref_slice %arg5[%dma_wait3A] : memref<4096xi32, #tpu.memory_space<vmem>> -> memref<256xi32, #tpu.memory_space<vmem>>
      %dma_wait3A_51 = tpu.memref_slice %arg3[%add3A_26] : memref<131072xi32, #tpu.memory_space<hbm>> -> memref<256xi32, #tpu.memory_space<hbm>>
      %dma_wait3A_52 = arith.constant 2816 : i32
      %dma_wait3A_53 = tpu.memref_slice %arg5[%dma_wait3A_52] : memref<4096xi32, #tpu.memory_space<vmem>> -> memref<256xi32, #tpu.memory_space<vmem>>
      %dma_wait3A_54 = tpu.memref_slice %arg3[%add3A_26] : memref<131072xi32, #tpu.memory_space<hbm>> -> memref<256xi32, #tpu.memory_space<hbm>>
      tpu.wait_dma2 semaphore(%run_scoped3A : memref<!tpu.dma_semaphore, #tpu.memory_space<semaphore_mem>>) src(%dma_wait3A_54 : memref<256xi32, #tpu.memory_space<hbm>>) dst(%dma_wait3A_53 : memref<256xi32, #tpu.memory_space<vmem>>)
      tpu.yield
    }) : () -> ()
    %add3A_27 = arith.constant 98304 : i32
    %add3A_28 = arith.addi %add3A_27, %mul3A_2 : i32
    "tpu.region"() ({
      %run_scoped3A = tpu.sem_alloc : memref<!tpu.dma_semaphore, #tpu.memory_space<semaphore_mem>>
      %dma_start3A_44 = arith.constant 3072 : i32
      %dma_start3A_45 = tpu.memref_slice %arg5[%dma_start3A_44] : memref<4096xi32, #tpu.memory_space<vmem>> -> memref<256xi32, #tpu.memory_space<vmem>>
      %dma_start3A_46 = tpu.memref_slice %arg3[%add3A_28] : memref<131072xi32, #tpu.memory_space<hbm>> -> memref<256xi32, #tpu.memory_space<hbm>>
      %dma_start3A_47 = arith.constant 3072 : i32
      %dma_start3A_48 = tpu.memref_slice %arg5[%dma_start3A_47] : memref<4096xi32, #tpu.memory_space<vmem>> -> memref<256xi32, #tpu.memory_space<vmem>>
      %dma_start3A_49 = tpu.memref_slice %arg3[%add3A_28] : memref<131072xi32, #tpu.memory_space<hbm>> -> memref<256xi32, #tpu.memory_space<hbm>>
      tpu.enqueue_dma source(%dma_start3A_49 : memref<256xi32, #tpu.memory_space<hbm>>) target(%dma_start3A_48 : memref<256xi32, #tpu.memory_space<vmem>>) target_semaphore(%run_scoped3A : memref<!tpu.dma_semaphore, #tpu.memory_space<semaphore_mem>>)
      %dma_wait3A = arith.constant 3072 : i32
      %dma_wait3A_50 = tpu.memref_slice %arg5[%dma_wait3A] : memref<4096xi32, #tpu.memory_space<vmem>> -> memref<256xi32, #tpu.memory_space<vmem>>
      %dma_wait3A_51 = tpu.memref_slice %arg3[%add3A_28] : memref<131072xi32, #tpu.memory_space<hbm>> -> memref<256xi32, #tpu.memory_space<hbm>>
      %dma_wait3A_52 = arith.constant 3072 : i32
      %dma_wait3A_53 = tpu.memref_slice %arg5[%dma_wait3A_52] : memref<4096xi32, #tpu.memory_space<vmem>> -> memref<256xi32, #tpu.memory_space<vmem>>
      %dma_wait3A_54 = tpu.memref_slice %arg3[%add3A_28] : memref<131072xi32, #tpu.memory_space<hbm>> -> memref<256xi32, #tpu.memory_space<hbm>>
      tpu.wait_dma2 semaphore(%run_scoped3A : memref<!tpu.dma_semaphore, #tpu.memory_space<semaphore_mem>>) src(%dma_wait3A_54 : memref<256xi32, #tpu.memory_space<hbm>>) dst(%dma_wait3A_53 : memref<256xi32, #tpu.memory_space<vmem>>)
      tpu.yield
    }) : () -> ()
    %add3A_29 = arith.constant 106496 : i32
    %add3A_30 = arith.addi %add3A_29, %mul3A_2 : i32
    "tpu.region"() ({
      %run_scoped3A = tpu.sem_alloc : memref<!tpu.dma_semaphore, #tpu.memory_space<semaphore_mem>>
      %dma_start3A_44 = arith.constant 3328 : i32
      %dma_start3A_45 = tpu.memref_slice %arg5[%dma_start3A_44] : memref<4096xi32, #tpu.memory_space<vmem>> -> memref<256xi32, #tpu.memory_space<vmem>>
      %dma_start3A_46 = tpu.memref_slice %arg3[%add3A_30] : memref<131072xi32, #tpu.memory_space<hbm>> -> memref<256xi32, #tpu.memory_space<hbm>>
      %dma_start3A_47 = arith.constant 3328 : i32
      %dma_start3A_48 = tpu.memref_slice %arg5[%dma_start3A_47] : memref<4096xi32, #tpu.memory_space<vmem>> -> memref<256xi32, #tpu.memory_space<vmem>>
      %dma_start3A_49 = tpu.memref_slice %arg3[%add3A_30] : memref<131072xi32, #tpu.memory_space<hbm>> -> memref<256xi32, #tpu.memory_space<hbm>>
      tpu.enqueue_dma source(%dma_start3A_49 : memref<256xi32, #tpu.memory_space<hbm>>) target(%dma_start3A_48 : memref<256xi32, #tpu.memory_space<vmem>>) target_semaphore(%run_scoped3A : memref<!tpu.dma_semaphore, #tpu.memory_space<semaphore_mem>>)
      %dma_wait3A = arith.constant 3328 : i32
      %dma_wait3A_50 = tpu.memref_slice %arg5[%dma_wait3A] : memref<4096xi32, #tpu.memory_space<vmem>> -> memref<256xi32, #tpu.memory_space<vmem>>
      %dma_wait3A_51 = tpu.memref_slice %arg3[%add3A_30] : memref<131072xi32, #tpu.memory_space<hbm>> -> memref<256xi32, #tpu.memory_space<hbm>>
      %dma_wait3A_52 = arith.constant 3328 : i32
      %dma_wait3A_53 = tpu.memref_slice %arg5[%dma_wait3A_52] : memref<4096xi32, #tpu.memory_space<vmem>> -> memref<256xi32, #tpu.memory_space<vmem>>
      %dma_wait3A_54 = tpu.memref_slice %arg3[%add3A_30] : memref<131072xi32, #tpu.memory_space<hbm>> -> memref<256xi32, #tpu.memory_space<hbm>>
      tpu.wait_dma2 semaphore(%run_scoped3A : memref<!tpu.dma_semaphore, #tpu.memory_space<semaphore_mem>>) src(%dma_wait3A_54 : memref<256xi32, #tpu.memory_space<hbm>>) dst(%dma_wait3A_53 : memref<256xi32, #tpu.memory_space<vmem>>)
      tpu.yield
    }) : () -> ()
    %add3A_31 = arith.constant 114688 : i32
    %add3A_32 = arith.addi %add3A_31, %mul3A_2 : i32
    "tpu.region"() ({
      %run_scoped3A = tpu.sem_alloc : memref<!tpu.dma_semaphore, #tpu.memory_space<semaphore_mem>>
      %dma_start3A_44 = arith.constant 3584 : i32
      %dma_start3A_45 = tpu.memref_slice %arg5[%dma_start3A_44] : memref<4096xi32, #tpu.memory_space<vmem>> -> memref<256xi32, #tpu.memory_space<vmem>>
      %dma_start3A_46 = tpu.memref_slice %arg3[%add3A_32] : memref<131072xi32, #tpu.memory_space<hbm>> -> memref<256xi32, #tpu.memory_space<hbm>>
      %dma_start3A_47 = arith.constant 3584 : i32
      %dma_start3A_48 = tpu.memref_slice %arg5[%dma_start3A_47] : memref<4096xi32, #tpu.memory_space<vmem>> -> memref<256xi32, #tpu.memory_space<vmem>>
      %dma_start3A_49 = tpu.memref_slice %arg3[%add3A_32] : memref<131072xi32, #tpu.memory_space<hbm>> -> memref<256xi32, #tpu.memory_space<hbm>>
      tpu.enqueue_dma source(%dma_start3A_49 : memref<256xi32, #tpu.memory_space<hbm>>) target(%dma_start3A_48 : memref<256xi32, #tpu.memory_space<vmem>>) target_semaphore(%run_scoped3A : memref<!tpu.dma_semaphore, #tpu.memory_space<semaphore_mem>>)
      %dma_wait3A = arith.constant 3584 : i32
      %dma_wait3A_50 = tpu.memref_slice %arg5[%dma_wait3A] : memref<4096xi32, #tpu.memory_space<vmem>> -> memref<256xi32, #tpu.memory_space<vmem>>
      %dma_wait3A_51 = tpu.memref_slice %arg3[%add3A_32] : memref<131072xi32, #tpu.memory_space<hbm>> -> memref<256xi32, #tpu.memory_space<hbm>>
      %dma_wait3A_52 = arith.constant 3584 : i32
      %dma_wait3A_53 = tpu.memref_slice %arg5[%dma_wait3A_52] : memref<4096xi32, #tpu.memory_space<vmem>> -> memref<256xi32, #tpu.memory_space<vmem>>
      %dma_wait3A_54 = tpu.memref_slice %arg3[%add3A_32] : memref<131072xi32, #tpu.memory_space<hbm>> -> memref<256xi32, #tpu.memory_space<hbm>>
      tpu.wait_dma2 semaphore(%run_scoped3A : memref<!tpu.dma_semaphore, #tpu.memory_space<semaphore_mem>>) src(%dma_wait3A_54 : memref<256xi32, #tpu.memory_space<hbm>>) dst(%dma_wait3A_53 : memref<256xi32, #tpu.memory_space<vmem>>)
      tpu.yield
    }) : () -> ()
    %add3A_33 = arith.constant 122880 : i32
    %add3A_34 = arith.addi %add3A_33, %mul3A_2 : i32
    "tpu.region"() ({
      %run_scoped3A = tpu.sem_alloc : memref<!tpu.dma_semaphore, #tpu.memory_space<semaphore_mem>>
      %dma_start3A_44 = arith.constant 3840 : i32
      %dma_start3A_45 = tpu.memref_slice %arg5[%dma_start3A_44] : memref<4096xi32, #tpu.memory_space<vmem>> -> memref<256xi32, #tpu.memory_space<vmem>>
      %dma_start3A_46 = tpu.memref_slice %arg3[%add3A_34] : memref<131072xi32, #tpu.memory_space<hbm>> -> memref<256xi32, #tpu.memory_space<hbm>>
      %dma_start3A_47 = arith.constant 3840 : i32
      %dma_start3A_48 = tpu.memref_slice %arg5[%dma_start3A_47] : memref<4096xi32, #tpu.memory_space<vmem>> -> memref<256xi32, #tpu.memory_space<vmem>>
      %dma_start3A_49 = tpu.memref_slice %arg3[%add3A_34] : memref<131072xi32, #tpu.memory_space<hbm>> -> memref<256xi32, #tpu.memory_space<hbm>>
      tpu.enqueue_dma source(%dma_start3A_49 : memref<256xi32, #tpu.memory_space<hbm>>) target(%dma_start3A_48 : memref<256xi32, #tpu.memory_space<vmem>>) target_semaphore(%run_scoped3A : memref<!tpu.dma_semaphore, #tpu.memory_space<semaphore_mem>>)
      %dma_wait3A = arith.constant 3840 : i32
      %dma_wait3A_50 = tpu.memref_slice %arg5[%dma_wait3A] : memref<4096xi32, #tpu.memory_space<vmem>> -> memref<256xi32, #tpu.memory_space<vmem>>
      %dma_wait3A_51 = tpu.memref_slice %arg3[%add3A_34] : memref<131072xi32, #tpu.memory_space<hbm>> -> memref<256xi32, #tpu.memory_space<hbm>>
      %dma_wait3A_52 = arith.constant 3840 : i32
      %dma_wait3A_53 = tpu.memref_slice %arg5[%dma_wait3A_52] : memref<4096xi32, #tpu.memory_space<vmem>> -> memref<256xi32, #tpu.memory_space<vmem>>
      %dma_wait3A_54 = tpu.memref_slice %arg3[%add3A_34] : memref<131072xi32, #tpu.memory_space<hbm>> -> memref<256xi32, #tpu.memory_space<hbm>>
      tpu.wait_dma2 semaphore(%run_scoped3A : memref<!tpu.dma_semaphore, #tpu.memory_space<semaphore_mem>>) src(%dma_wait3A_54 : memref<256xi32, #tpu.memory_space<hbm>>) dst(%dma_wait3A_53 : memref<256xi32, #tpu.memory_space<vmem>>)
      tpu.yield
    }) : () -> ()
    %dma_start3A = arith.constant 0 : i32
    %dma_start3A_35 = tpu.memref_slice %arg5[%dma_start3A] : memref<4096xi32, #tpu.memory_space<vmem>> -> memref<128xi32, #tpu.memory_space<vmem>>
    %dma_start3A_36 = arith.constant 0 : i32
    %dma_start3A_37 = arith.constant 0 : i32
    %dma_start3A_38 = tpu.memref_slice %arg2[%dma_start3A_36, %dma_start3A_37] : memref<8192x128xi32, #tpu.memory_space<hbm>> -> memref<8192x128xi32, #tpu.memory_space<hbm>>
    tpu.enqueue_indirect_dma source(%dma_start3A_38 : memref<8192x128xi32, #tpu.memory_space<hbm>>) target(%arg6 : memref<128x128xi32, #tpu.memory_space<vmem>>) offsets(%dma_start3A_35 : memref<128xi32, #tpu.memory_space<vmem>>) semaphore(%arg8 : memref<!tpu.dma_semaphore, #tpu.memory_space<semaphore_mem>>)
    %scan3A = arith.constant 0 : i32
    %scan3A_39 = arith.constant 0 : i32
    %scan3A_40 = arith.constant 16 : i32
    %scan3A_41 = arith.addi %scan3A_39, %scan3A_40 : i32
    %scan3A_42 = arith.constant 1 : i32
    scf.for %scan3A_44 = %scan3A_39 to %scan3A_41 step %scan3A_42  : i32 {
      %mul3A_45 = arith.constant 2 : i32
      %mul3A_46 = arith.muli %mul3A_45, %scan3A_44 : i32
      %add3A_47 = arith.constant 1 : i32
      %add3A_48 = arith.addi %mul3A_46, %add3A_47 : i32
      %dma_wait3A = arith.constant 0 : i32
      %dma_wait3A_49 = tpu.memref_slice %arg5[%dma_wait3A] : memref<4096xi32, #tpu.memory_space<vmem>> -> memref<128xi32, #tpu.memory_space<vmem>>
      %dma_wait3A_50 = arith.constant 0 : i32
      %dma_wait3A_51 = arith.constant 0 : i32
      %dma_wait3A_52 = tpu.memref_slice %arg2[%dma_wait3A_50, %dma_wait3A_51] : memref<8192x128xi32, #tpu.memory_space<hbm>> -> memref<8192x128xi32, #tpu.memory_space<hbm>>
      tpu.wait_indirect_dma semaphore(%arg8 : memref<!tpu.dma_semaphore, #tpu.memory_space<semaphore_mem>>) src(%dma_wait3A_52 : memref<8192x128xi32, #tpu.memory_space<hbm>>) dst(%arg6 : memref<128x128xi32, #tpu.memory_space<vmem>>)
      %mul3A_53 = arith.constant 128 : i32
      %mul3A_54 = arith.muli %add3A_48, %mul3A_53 : i32
      %dma_start3A_55 = tpu.memref_slice %arg5[%mul3A_54] : memref<4096xi32, #tpu.memory_space<vmem>> -> memref<128xi32, #tpu.memory_space<vmem>>
      %dma_start3A_56 = arith.constant 0 : i32
      %dma_start3A_57 = arith.constant 0 : i32
      %dma_start3A_58 = tpu.memref_slice %arg2[%dma_start3A_56, %dma_start3A_57] : memref<8192x128xi32, #tpu.memory_space<hbm>> -> memref<8192x128xi32, #tpu.memory_space<hbm>>
      tpu.enqueue_indirect_dma source(%dma_start3A_58 : memref<8192x128xi32, #tpu.memory_space<hbm>>) target(%arg7 : memref<128x128xi32, #tpu.memory_space<vmem>>) offsets(%dma_start3A_55 : memref<128xi32, #tpu.memory_space<vmem>>) semaphore(%arg9 : memref<!tpu.dma_semaphore, #tpu.memory_space<semaphore_mem>>)
      %jit3A = arith.constant 2 : i32
      %div3A = arith.divsi %mul3A_46, %jit3A : i32
      %sign3A = arith.constant 0 : i32
      %sign3A_59 = arith.cmpi sgt, %mul3A_46, %sign3A : i32
      %sign3A_60 = arith.extui %sign3A_59 : i1 to i32
      %sign3A_61 = arith.constant 0 : i32
      %sign3A_62 = arith.cmpi slt, %mul3A_46, %sign3A_61 : i32
      %sign3A_63 = arith.extui %sign3A_62 : i1 to i32
      %sign3A_64 = arith.subi %sign3A_60, %sign3A_63 : i32
      %sign3A_65 = arith.constant 0 : i32
      %sign3A_66 = arith.cmpi sgt, %jit3A, %sign3A_65 : i32
      %sign3A_67 = arith.extui %sign3A_66 : i1 to i32
      %sign3A_68 = arith.constant 0 : i32
      %sign3A_69 = arith.cmpi slt, %jit3A, %sign3A_68 : i32
      %sign3A_70 = arith.extui %sign3A_69 : i1 to i32
      %sign3A_71 = arith.subi %sign3A_67, %sign3A_70 : i32
      %ne3A = arith.cmpi ne, %sign3A_64, %sign3A_71 : i32
      %rem3A = arith.remsi %mul3A_46, %jit3A : i32
      %ne3A_72 = arith.constant 0 : i32
      %ne3A_73 = arith.cmpi ne, %rem3A, %ne3A_72 : i32
      %and3A = arith.andi %ne3A, %ne3A_73 : i1
      %sub3A = arith.constant 1 : i32
      %sub3A_74 = arith.subi %div3A, %sub3A : i32
      %select_n3A = arith.select %and3A, %sub3A_74, %div3A : i32
      %mul3A_75 = arith.constant 2 : i32
      %mul3A_76 = arith.muli %mul3A_75, %select_n3A : i32
      %sub3A_77 = arith.subi %mul3A_46, %mul3A_76 : i32
      %mul3A_78 = arith.constant 8192 : i32
      %mul3A_79 = arith.muli %select_n3A, %mul3A_78 : i32
      %add3A_80 = arith.addi %mul3A_79, %mul3A_2 : i32
      %mul3A_81 = arith.constant 128 : i32
      %mul3A_82 = arith.muli %sub3A_77, %mul3A_81 : i32
      %add3A_83 = arith.addi %add3A_80, %mul3A_82 : i32
      "tpu.region"() ({
        %run_scoped3A = tpu.sem_alloc : memref<!tpu.dma_semaphore, #tpu.memory_space<semaphore_mem>>
        %dma_start3A_126 = arith.constant 0 : i32
        %dma_start3A_127 = tpu.memref_slice %arg4[%add3A_83, %dma_start3A_126] : memref<131072x128xi32, #tpu.memory_space<hbm>> -> memref<128x128xi32, #tpu.memory_space<hbm>>
        %dma_start3A_128 = arith.constant 0 : i32
        %dma_start3A_129 = tpu.memref_slice %arg4[%add3A_83, %dma_start3A_128] : memref<131072x128xi32, #tpu.memory_space<hbm>> -> memref<128x128xi32, #tpu.memory_space<hbm>>
        tpu.enqueue_dma source(%arg6 : memref<128x128xi32, #tpu.memory_space<vmem>>) target(%dma_start3A_129 : memref<128x128xi32, #tpu.memory_space<hbm>>) target_semaphore(%run_scoped3A : memref<!tpu.dma_semaphore, #tpu.memory_space<semaphore_mem>>)
        %dma_wait3A_130 = arith.constant 0 : i32
        %dma_wait3A_131 = tpu.memref_slice %arg4[%add3A_83, %dma_wait3A_130] : memref<131072x128xi32, #tpu.memory_space<hbm>> -> memref<128x128xi32, #tpu.memory_space<hbm>>
        %dma_wait3A_132 = arith.constant 0 : i32
        %dma_wait3A_133 = tpu.memref_slice %arg4[%add3A_83, %dma_wait3A_132] : memref<131072x128xi32, #tpu.memory_space<hbm>> -> memref<128x128xi32, #tpu.memory_space<hbm>>
        tpu.wait_dma2 semaphore(%run_scoped3A : memref<!tpu.dma_semaphore, #tpu.memory_space<semaphore_mem>>) src(%arg6 : memref<128x128xi32, #tpu.memory_space<vmem>>) dst(%dma_wait3A_133 : memref<128x128xi32, #tpu.memory_space<hbm>>)
        tpu.yield
      }) : () -> ()
      %dma_wait3A_84 = arith.constant 0 : i32
      %dma_wait3A_85 = tpu.memref_slice %arg5[%dma_wait3A_84] : memref<4096xi32, #tpu.memory_space<vmem>> -> memref<128xi32, #tpu.memory_space<vmem>>
      %dma_wait3A_86 = arith.constant 0 : i32
      %dma_wait3A_87 = arith.constant 0 : i32
      %dma_wait3A_88 = tpu.memref_slice %arg2[%dma_wait3A_86, %dma_wait3A_87] : memref<8192x128xi32, #tpu.memory_space<hbm>> -> memref<8192x128xi32, #tpu.memory_space<hbm>>
      tpu.wait_indirect_dma semaphore(%arg9 : memref<!tpu.dma_semaphore, #tpu.memory_space<semaphore_mem>>) src(%dma_wait3A_88 : memref<8192x128xi32, #tpu.memory_space<hbm>>) dst(%arg7 : memref<128x128xi32, #tpu.memory_space<vmem>>)
      %add3A_89 = arith.constant 1 : i32
      %add3A_90 = arith.addi %scan3A_44, %add3A_89 : i32
      %lt3A = arith.constant 16 : i32
      %lt3A_91 = arith.cmpi slt, %add3A_90, %lt3A : i32
      %convert_element_type3A = arith.extui %lt3A_91 : i1 to i32
      %cond3A = arith.constant 0 : i32
      %cond3A_92 = arith.cmpi ne, %convert_element_type3A, %cond3A : i32
      scf.if %cond3A_92 {
        %add3A_126 = arith.constant 2 : i32
        %add3A_127 = arith.addi %mul3A_46, %add3A_126 : i32
        %mul3A_128 = arith.constant 128 : i32
        %mul3A_129 = arith.muli %add3A_127, %mul3A_128 : i32
        %dma_start3A_130 = tpu.memref_slice %arg5[%mul3A_129] : memref<4096xi32, #tpu.memory_space<vmem>> -> memref<128xi32, #tpu.memory_space<vmem>>
        %dma_start3A_131 = arith.constant 0 : i32
        %dma_start3A_132 = arith.constant 0 : i32
        %dma_start3A_133 = tpu.memref_slice %arg2[%dma_start3A_131, %dma_start3A_132] : memref<8192x128xi32, #tpu.memory_space<hbm>> -> memref<8192x128xi32, #tpu.memory_space<hbm>>
        tpu.enqueue_indirect_dma source(%dma_start3A_133 : memref<8192x128xi32, #tpu.memory_space<hbm>>) target(%arg6 : memref<128x128xi32, #tpu.memory_space<vmem>>) offsets(%dma_start3A_130 : memref<128xi32, #tpu.memory_space<vmem>>) semaphore(%arg8 : memref<!tpu.dma_semaphore, #tpu.memory_space<semaphore_mem>>)
      } else {
      }
      %jit3A_93 = arith.constant 2 : i32
      %div3A_94 = arith.divsi %add3A_48, %jit3A_93 : i32
      %sign3A_95 = arith.constant 0 : i32
      %sign3A_96 = arith.cmpi sgt, %add3A_48, %sign3A_95 : i32
      %sign3A_97 = arith.extui %sign3A_96 : i1 to i32
      %sign3A_98 = arith.constant 0 : i32
      %sign3A_99 = arith.cmpi slt, %add3A_48, %sign3A_98 : i32
      %sign3A_100 = arith.extui %sign3A_99 : i1 to i32
      %sign3A_101 = arith.subi %sign3A_97, %sign3A_100 : i32
      %sign3A_102 = arith.constant 0 : i32
      %sign3A_103 = arith.cmpi sgt, %jit3A_93, %sign3A_102 : i32
      %sign3A_104 = arith.extui %sign3A_103 : i1 to i32
      %sign3A_105 = arith.constant 0 : i32
      %sign3A_106 = arith.cmpi slt, %jit3A_93, %sign3A_105 : i32
      %sign3A_107 = arith.extui %sign3A_106 : i1 to i32
      %sign3A_108 = arith.subi %sign3A_104, %sign3A_107 : i32
      %ne3A_109 = arith.cmpi ne, %sign3A_101, %sign3A_108 : i32
      %rem3A_110 = arith.remsi %add3A_48, %jit3A_93 : i32
      %ne3A_111 = arith.constant 0 : i32
      %ne3A_112 = arith.cmpi ne, %rem3A_110, %ne3A_111 : i32
      %and3A_113 = arith.andi %ne3A_109, %ne3A_112 : i1
      %sub3A_114 = arith.constant 1 : i32
      %sub3A_115 = arith.subi %div3A_94, %sub3A_114 : i32
      %select_n3A_116 = arith.select %and3A_113, %sub3A_115, %div3A_94 : i32
      %mul3A_117 = arith.constant 2 : i32
      %mul3A_118 = arith.muli %mul3A_117, %select_n3A_116 : i32
      %sub3A_119 = arith.subi %add3A_48, %mul3A_118 : i32
      %mul3A_120 = arith.constant 8192 : i32
      %mul3A_121 = arith.muli %select_n3A_116, %mul3A_120 : i32
      %add3A_122 = arith.addi %mul3A_121, %mul3A_2 : i32
      %mul3A_123 = arith.constant 128 : i32
      %mul3A_124 = arith.muli %sub3A_119, %mul3A_123 : i32
      %add3A_125 = arith.addi %add3A_122, %mul3A_124 : i32
      "tpu.region"() ({
        %run_scoped3A = tpu.sem_alloc : memref<!tpu.dma_semaphore, #tpu.memory_space<semaphore_mem>>
        %dma_start3A_126 = arith.constant 0 : i32
        %dma_start3A_127 = tpu.memref_slice %arg4[%add3A_125, %dma_start3A_126] : memref<131072x128xi32, #tpu.memory_space<hbm>> -> memref<128x128xi32, #tpu.memory_space<hbm>>
        %dma_start3A_128 = arith.constant 0 : i32
        %dma_start3A_129 = tpu.memref_slice %arg4[%add3A_125, %dma_start3A_128] : memref<131072x128xi32, #tpu.memory_space<hbm>> -> memref<128x128xi32, #tpu.memory_space<hbm>>
        tpu.enqueue_dma source(%arg7 : memref<128x128xi32, #tpu.memory_space<vmem>>) target(%dma_start3A_129 : memref<128x128xi32, #tpu.memory_space<hbm>>) target_semaphore(%run_scoped3A : memref<!tpu.dma_semaphore, #tpu.memory_space<semaphore_mem>>)
        %dma_wait3A_130 = arith.constant 0 : i32
        %dma_wait3A_131 = tpu.memref_slice %arg4[%add3A_125, %dma_wait3A_130] : memref<131072x128xi32, #tpu.memory_space<hbm>> -> memref<128x128xi32, #tpu.memory_space<hbm>>
        %dma_wait3A_132 = arith.constant 0 : i32
        %dma_wait3A_133 = tpu.memref_slice %arg4[%add3A_125, %dma_wait3A_132] : memref<131072x128xi32, #tpu.memory_space<hbm>> -> memref<128x128xi32, #tpu.memory_space<hbm>>
        tpu.wait_dma2 semaphore(%run_scoped3A : memref<!tpu.dma_semaphore, #tpu.memory_space<semaphore_mem>>) src(%arg7 : memref<128x128xi32, #tpu.memory_space<vmem>>) dst(%dma_wait3A_133 : memref<128x128xi32, #tpu.memory_space<hbm>>)
        tpu.yield
      }) : () -> ()
    }
    %scan3A_43 = arith.constant 16 : i32
    return
  }
}

module attributes {stable_mosaic.version = 14 : i64} {
  func.func @_topk_body(%arg0: i32, %arg1: i32, %arg2: memref<16xi32, #tpu.memory_space<smem>>, %arg3: memref<16xi32, #tpu.memory_space<smem>>, %arg4: memref<512x128xf32, #tpu.memory_space<vmem>>, %arg5: memref<128x512xf32, #tpu.memory_space<vmem>>, %arg6: memref<512x1xi32, #tpu.memory_space<vmem>>, %arg7: memref<1x512xi32, #tpu.memory_space<vmem>>, %arg8: memref<512x16xi32, #tpu.memory_space<vmem>>, %arg9: memref<512x16xf32, #tpu.memory_space<vmem>>, %arg10: memref<512x16xf32, #tpu.memory_space<vmem>>) attributes {dimension_semantics = [#tpu.dimension_semantics<arbitrary>, #tpu.dimension_semantics<arbitrary>], iteration_bounds = array<i64: 16, 16>, scalar_prefetch = 2 : i64, scratch_operands = 2 : i64, tpu.core_type = #tpu.core_type<tc>, window_params = [{transform_indices = @transform_0, window_bounds = array<i64: 512, 128>}, {transform_indices = @transform_1, window_bounds = array<i64: 128, 512>}, {transform_indices = @transform_2, window_bounds = array<i64: 512, 1>}, {transform_indices = @transform_3, window_bounds = array<i64: 1, 512>}, {transform_indices = @transform_4, window_bounds = array<i64: 512, 16>}]} {
    %eq3A = arith.constant 0 : i32
    %eq3A_0 = arith.cmpi eq, %arg1, %eq3A : i32
    %convert_element_type3A = arith.extui %eq3A_0 : i1 to i32
    %cond3A = arith.constant 0 : i32
    %cond3A_1 = arith.cmpi ne, %convert_element_type3A, %cond3A : i32
    scf.if %cond3A_1 {
      %broadcast_in_dim3A = arith.constant 3.000000e+38 : f32
      %broadcast_in_dim3A_13 = vector.broadcast %broadcast_in_dim3A : f32 to vector<512x16xf32>
      %swap3A = arith.constant 0 : index
      %swap3A_14 = arith.constant 0 : index
      %swap3A_15 = vector.load %arg9[%swap3A, %swap3A_14] : memref<512x16xf32, #tpu.memory_space<vmem>>, vector<512x16xf32>
      tpu.vector_store %arg9[%swap3A, %swap3A_14], %broadcast_in_dim3A_13 {strides = array<i32>} : memref<512x16xf32, #tpu.memory_space<vmem>>, vector<512x16xf32>,
      %broadcast_in_dim3A_16 = arith.constant 3.000000e+38 : f32
      %broadcast_in_dim3A_17 = vector.broadcast %broadcast_in_dim3A_16 : f32 to vector<512x16xf32>
      %swap3A_18 = arith.constant 0 : index
      %swap3A_19 = arith.constant 0 : index
      %swap3A_20 = vector.load %arg10[%swap3A_18, %swap3A_19] : memref<512x16xf32, #tpu.memory_space<vmem>>, vector<512x16xf32>
      tpu.vector_store %arg10[%swap3A_18, %swap3A_19], %broadcast_in_dim3A_17 {strides = array<i32>} : memref<512x16xf32, #tpu.memory_space<vmem>>, vector<512x16xf32>,
    } else {
    }
    %get3A = arith.index_cast %arg0 : i32 to index
    %get3A_2 = memref.load %arg2[%get3A] : memref<16xi32, #tpu.memory_space<smem>>
    %ge3A = arith.cmpi sge, %arg1, %get3A_2 : i32
    %get3A_3 = arith.index_cast %arg0 : i32 to index
    %get3A_4 = memref.load %arg3[%get3A_3] : memref<16xi32, #tpu.memory_space<smem>>
    %le3A = arith.cmpi sle, %arg1, %get3A_4 : i32
    %and3A = arith.andi %ge3A, %le3A : i1
    %convert_element_type3A_5 = arith.extui %and3A : i1 to i32
    %cond3A_6 = arith.constant 0 : i32
    %cond3A_7 = arith.cmpi ne, %convert_element_type3A_5, %cond3A_6 : i32
    scf.if %cond3A_7 {
      %get3A_13 = arith.constant 0 : index
      %get3A_14 = arith.constant 0 : index
      %get3A_15 = vector.load %arg4[%get3A_13, %get3A_14] : memref<512x128xf32, #tpu.memory_space<vmem>>, vector<512x128xf32>
      %get3A_16 = arith.constant 0 : index
      %get3A_17 = arith.constant 0 : index
      %get3A_18 = vector.load %arg5[%get3A_16, %get3A_17] : memref<128x512xf32, #tpu.memory_space<vmem>>, vector<128x512xf32>
      %dot_general3A = arith.constant dense<0.000000e+00> : vector<512x512xf32>
      %dot_general3A_19 = tpu.matmul %get3A_15, %get3A_18, %dot_general3A {dimension_numbers = #tpu.dot_dimension_numbers<[1], [0], [0], [1], [0, 0, 1, 1], [], []>, transpose_lhs_hint = false} : vector<512x128xf32>, vector<128x512xf32>, vector<512x512xf32> -> vector<512x512xf32>
      %mul3A = arith.mulf %get3A_15, %get3A_15 : vector<512x128xf32>
      %reduce_sum3A = arith.constant dense<0.000000e+00> : vector<512xf32>
      %reduce_sum3A_20 = vector.multi_reduction <add>, %mul3A, %reduce_sum3A [1] : vector<512x128xf32> to vector<512xf32>
      %broadcast_in_dim3A = vector.shape_cast %reduce_sum3A_20 : vector<512xf32> to vector<512x1xf32>
      %mul3A_21 = arith.mulf %get3A_18, %get3A_18 : vector<128x512xf32>
      %reduce_sum3A_22 = arith.constant dense<0.000000e+00> : vector<512xf32>
      %reduce_sum3A_23 = vector.multi_reduction <add>, %mul3A_21, %reduce_sum3A_22 [0] : vector<128x512xf32> to vector<512xf32>
      %broadcast_in_dim3A_24 = vector.shape_cast %reduce_sum3A_23 : vector<512xf32> to vector<1x512xf32>
      %add3A = vector.broadcast %broadcast_in_dim3A : vector<512x1xf32> to vector<512x512xf32>
      %add3A_25 = vector.broadcast %broadcast_in_dim3A_24 : vector<1x512xf32> to vector<512x512xf32>
      %add3A_26 = arith.addf %add3A, %add3A_25 : vector<512x512xf32>
      %mul3A_27 = arith.constant 2.000000e+00 : f32
      %mul3A_28 = vector.broadcast %mul3A_27 : f32 to vector<512x512xf32>
      %mul3A_29 = arith.mulf %mul3A_28, %dot_general3A_19 : vector<512x512xf32>
      %sub3A = arith.subf %add3A_26, %mul3A_29 : vector<512x512xf32>
      %get3A_30 = arith.constant 0 : index
      %get3A_31 = arith.constant 0 : index
      %get3A_32 = vector.load %arg6[%get3A_30, %get3A_31] : memref<512x1xi32, #tpu.memory_space<vmem>>, vector<512x1xi32>
      %get3A_33 = arith.constant 0 : index
      %get3A_34 = arith.constant 0 : index
      %get3A_35 = vector.load %arg7[%get3A_33, %get3A_34] : memref<1x512xi32, #tpu.memory_space<vmem>>, vector<1x512xi32>
      %ne3A = vector.broadcast %get3A_32 : vector<512x1xi32> to vector<512x512xi32>
      %ne3A_36 = vector.broadcast %get3A_35 : vector<1x512xi32> to vector<512x512xi32>
      %ne3A_37 = arith.cmpi ne, %ne3A, %ne3A_36 : vector<512x512xi32>
      %jit3A = arith.constant 3.000000e+38 : f32
      %broadcast_in_dim3A_38 = vector.broadcast %jit3A : f32 to vector<512x512xf32>
      %select_n3A = arith.select %ne3A_37, %broadcast_in_dim3A_38, %sub3A : vector<512x512xi1>, vector<512x512xf32>
      %mul3A_39 = arith.constant 512 : i32
      %mul3A_40 = arith.muli %arg1, %mul3A_39 : i32
      %convert_element_type3A_41 = arith.sitofp %mul3A_40 : i32 to f32
      %iota3A = tpu.iota {dimensions = array<i32: 1>} : vector<512x512xi32>
      %convert_element_type3A_42 = arith.sitofp %iota3A : vector<512x512xi32> to vector<512x512xf32>
      %add3A_43 = vector.broadcast %convert_element_type3A_41 : f32 to vector<512x512xf32>
      %add3A_44 = arith.addf %add3A_43, %convert_element_type3A_42 : vector<512x512xf32>
      %get3A_45 = arith.constant 0 : index
      %get3A_46 = arith.constant 0 : index
      %get3A_47 = vector.load %arg9[%get3A_45, %get3A_46] : memref<512x16xf32, #tpu.memory_space<vmem>>, vector<512x16xf32>
      %concatenate3A = tpu.concatenate %get3A_47, %select_n3A in 1 : vector<512x16xf32>, vector<512x512xf32> -> vector<512x528xf32>
      %get3A_48 = arith.constant 0 : index
      %get3A_49 = arith.constant 0 : index
      %get3A_50 = vector.load %arg10[%get3A_48, %get3A_49] : memref<512x16xf32, #tpu.memory_space<vmem>>, vector<512x16xf32>
      %concatenate3A_51 = tpu.concatenate %get3A_50, %add3A_44 in 1 : vector<512x16xf32>, vector<512x512xf32> -> vector<512x528xf32>
      %reduce_min3A = arith.constant dense<0x7F800000> : vector<512xf32>
      %reduce_min3A_52 = vector.multi_reduction <minimumf>, %concatenate3A, %reduce_min3A [1] : vector<512x528xf32> to vector<512xf32>
      %broadcast_in_dim3A_53 = vector.shape_cast %reduce_min3A_52 : vector<512xf32> to vector<512x1xf32>
      %eq3A_54 = vector.broadcast %broadcast_in_dim3A_53 : vector<512x1xf32> to vector<512x528xf32>
      %eq3A_55 = arith.cmpf oeq, %concatenate3A, %eq3A_54 : vector<512x528xf32>
      %jit3A_56 = arith.constant 3.000000e+38 : f32
      %broadcast_in_dim3A_57 = vector.broadcast %jit3A_56 : f32 to vector<512x528xf32>
      %select_n3A_58 = arith.select %eq3A_55, %concatenate3A_51, %broadcast_in_dim3A_57 : vector<512x528xi1>, vector<512x528xf32>
      %reduce_min3A_59 = arith.constant dense<0x7F800000> : vector<512xf32>
      %reduce_min3A_60 = vector.multi_reduction <minimumf>, %select_n3A_58, %reduce_min3A_59 [1] : vector<512x528xf32> to vector<512xf32>
      %broadcast_in_dim3A_61 = vector.shape_cast %reduce_min3A_60 : vector<512xf32> to vector<512x1xf32>
      %eq3A_62 = vector.broadcast %broadcast_in_dim3A_61 : vector<512x1xf32> to vector<512x528xf32>
      %eq3A_63 = arith.cmpf oeq, %concatenate3A_51, %eq3A_62 : vector<512x528xf32>
      %jit3A_64 = arith.constant 3.000000e+38 : f32
      %broadcast_in_dim3A_65 = vector.broadcast %jit3A_64 : f32 to vector<512x528xf32>
      %select_n3A_66 = arith.select %eq3A_63, %broadcast_in_dim3A_65, %concatenate3A : vector<512x528xi1>, vector<512x528xf32>
      %reduce_min3A_67 = arith.constant dense<0x7F800000> : vector<512xf32>
      %reduce_min3A_68 = vector.multi_reduction <minimumf>, %select_n3A_66, %reduce_min3A_67 [1] : vector<512x528xf32> to vector<512xf32>
      %broadcast_in_dim3A_69 = vector.shape_cast %reduce_min3A_68 : vector<512xf32> to vector<512x1xf32>
      %eq3A_70 = vector.broadcast %broadcast_in_dim3A_69 : vector<512x1xf32> to vector<512x528xf32>
      %eq3A_71 = arith.cmpf oeq, %select_n3A_66, %eq3A_70 : vector<512x528xf32>
      %jit3A_72 = arith.constant 3.000000e+38 : f32
      %broadcast_in_dim3A_73 = vector.broadcast %jit3A_72 : f32 to vector<512x528xf32>
      %select_n3A_74 = arith.select %eq3A_71, %concatenate3A_51, %broadcast_in_dim3A_73 : vector<512x528xi1>, vector<512x528xf32>
      %reduce_min3A_75 = arith.constant dense<0x7F800000> : vector<512xf32>
      %reduce_min3A_76 = vector.multi_reduction <minimumf>, %select_n3A_74, %reduce_min3A_75 [1] : vector<512x528xf32> to vector<512xf32>
      %broadcast_in_dim3A_77 = vector.shape_cast %reduce_min3A_76 : vector<512xf32> to vector<512x1xf32>
      %eq3A_78 = vector.broadcast %broadcast_in_dim3A_77 : vector<512x1xf32> to vector<512x528xf32>
      %eq3A_79 = arith.cmpf oeq, %concatenate3A_51, %eq3A_78 : vector<512x528xf32>
      %jit3A_80 = arith.constant 3.000000e+38 : f32
      %broadcast_in_dim3A_81 = vector.broadcast %jit3A_80 : f32 to vector<512x528xf32>
      %select_n3A_82 = arith.select %eq3A_79, %broadcast_in_dim3A_81, %select_n3A_66 : vector<512x528xi1>, vector<512x528xf32>
      %reduce_min3A_83 = arith.constant dense<0x7F800000> : vector<512xf32>
      %reduce_min3A_84 = vector.multi_reduction <minimumf>, %select_n3A_82, %reduce_min3A_83 [1] : vector<512x528xf32> to vector<512xf32>
      %broadcast_in_dim3A_85 = vector.shape_cast %reduce_min3A_84 : vector<512xf32> to vector<512x1xf32>
      %eq3A_86 = vector.broadcast %broadcast_in_dim3A_85 : vector<512x1xf32> to vector<512x528xf32>
      %eq3A_87 = arith.cmpf oeq, %select_n3A_82, %eq3A_86 : vector<512x528xf32>
      %jit3A_88 = arith.constant 3.000000e+38 : f32
      %broadcast_in_dim3A_89 = vector.broadcast %jit3A_88 : f32 to vector<512x528xf32>
      %select_n3A_90 = arith.select %eq3A_87, %concatenate3A_51, %broadcast_in_dim3A_89 : vector<512x528xi1>, vector<512x528xf32>
      %reduce_min3A_91 = arith.constant dense<0x7F800000> : vector<512xf32>
      %reduce_min3A_92 = vector.multi_reduction <minimumf>, %select_n3A_90, %reduce_min3A_91 [1] : vector<512x528xf32> to vector<512xf32>
      %broadcast_in_dim3A_93 = vector.shape_cast %reduce_min3A_92 : vector<512xf32> to vector<512x1xf32>
      %eq3A_94 = vector.broadcast %broadcast_in_dim3A_93 : vector<512x1xf32> to vector<512x528xf32>
      %eq3A_95 = arith.cmpf oeq, %concatenate3A_51, %eq3A_94 : vector<512x528xf32>
      %jit3A_96 = arith.constant 3.000000e+38 : f32
      %broadcast_in_dim3A_97 = vector.broadcast %jit3A_96 : f32 to vector<512x528xf32>
      %select_n3A_98 = arith.select %eq3A_95, %broadcast_in_dim3A_97, %select_n3A_82 : vector<512x528xi1>, vector<512x528xf32>
      %reduce_min3A_99 = arith.constant dense<0x7F800000> : vector<512xf32>
      %reduce_min3A_100 = vector.multi_reduction <minimumf>, %select_n3A_98, %reduce_min3A_99 [1] : vector<512x528xf32> to vector<512xf32>
      %broadcast_in_dim3A_101 = vector.shape_cast %reduce_min3A_100 : vector<512xf32> to vector<512x1xf32>
      %eq3A_102 = vector.broadcast %broadcast_in_dim3A_101 : vector<512x1xf32> to vector<512x528xf32>
      %eq3A_103 = arith.cmpf oeq, %select_n3A_98, %eq3A_102 : vector<512x528xf32>
      %jit3A_104 = arith.constant 3.000000e+38 : f32
      %broadcast_in_dim3A_105 = vector.broadcast %jit3A_104 : f32 to vector<512x528xf32>
      %select_n3A_106 = arith.select %eq3A_103, %concatenate3A_51, %broadcast_in_dim3A_105 : vector<512x528xi1>, vector<512x528xf32>
      %reduce_min3A_107 = arith.constant dense<0x7F800000> : vector<512xf32>
      %reduce_min3A_108 = vector.multi_reduction <minimumf>, %select_n3A_106, %reduce_min3A_107 [1] : vector<512x528xf32> to vector<512xf32>
      %broadcast_in_dim3A_109 = vector.shape_cast %reduce_min3A_108 : vector<512xf32> to vector<512x1xf32>
      %eq3A_110 = vector.broadcast %broadcast_in_dim3A_109 : vector<512x1xf32> to vector<512x528xf32>
      %eq3A_111 = arith.cmpf oeq, %concatenate3A_51, %eq3A_110 : vector<512x528xf32>
      %jit3A_112 = arith.constant 3.000000e+38 : f32
      %broadcast_in_dim3A_113 = vector.broadcast %jit3A_112 : f32 to vector<512x528xf32>
      %select_n3A_114 = arith.select %eq3A_111, %broadcast_in_dim3A_113, %select_n3A_98 : vector<512x528xi1>, vector<512x528xf32>
      %reduce_min3A_115 = arith.constant dense<0x7F800000> : vector<512xf32>
      %reduce_min3A_116 = vector.multi_reduction <minimumf>, %select_n3A_114, %reduce_min3A_115 [1] : vector<512x528xf32> to vector<512xf32>
      %broadcast_in_dim3A_117 = vector.shape_cast %reduce_min3A_116 : vector<512xf32> to vector<512x1xf32>
      %eq3A_118 = vector.broadcast %broadcast_in_dim3A_117 : vector<512x1xf32> to vector<512x528xf32>
      %eq3A_119 = arith.cmpf oeq, %select_n3A_114, %eq3A_118 : vector<512x528xf32>
      %jit3A_120 = arith.constant 3.000000e+38 : f32
      %broadcast_in_dim3A_121 = vector.broadcast %jit3A_120 : f32 to vector<512x528xf32>
      %select_n3A_122 = arith.select %eq3A_119, %concatenate3A_51, %broadcast_in_dim3A_121 : vector<512x528xi1>, vector<512x528xf32>
      %reduce_min3A_123 = arith.constant dense<0x7F800000> : vector<512xf32>
      %reduce_min3A_124 = vector.multi_reduction <minimumf>, %select_n3A_122, %reduce_min3A_123 [1] : vector<512x528xf32> to vector<512xf32>
      %broadcast_in_dim3A_125 = vector.shape_cast %reduce_min3A_124 : vector<512xf32> to vector<512x1xf32>
      %eq3A_126 = vector.broadcast %broadcast_in_dim3A_125 : vector<512x1xf32> to vector<512x528xf32>
      %eq3A_127 = arith.cmpf oeq, %concatenate3A_51, %eq3A_126 : vector<512x528xf32>
      %jit3A_128 = arith.constant 3.000000e+38 : f32
      %broadcast_in_dim3A_129 = vector.broadcast %jit3A_128 : f32 to vector<512x528xf32>
      %select_n3A_130 = arith.select %eq3A_127, %broadcast_in_dim3A_129, %select_n3A_114 : vector<512x528xi1>, vector<512x528xf32>
      %reduce_min3A_131 = arith.constant dense<0x7F800000> : vector<512xf32>
      %reduce_min3A_132 = vector.multi_reduction <minimumf>, %select_n3A_130, %reduce_min3A_131 [1] : vector<512x528xf32> to vector<512xf32>
      %broadcast_in_dim3A_133 = vector.shape_cast %reduce_min3A_132 : vector<512xf32> to vector<512x1xf32>
      %eq3A_134 = vector.broadcast %broadcast_in_dim3A_133 : vector<512x1xf32> to vector<512x528xf32>
      %eq3A_135 = arith.cmpf oeq, %select_n3A_130, %eq3A_134 : vector<512x528xf32>
      %jit3A_136 = arith.constant 3.000000e+38 : f32
      %broadcast_in_dim3A_137 = vector.broadcast %jit3A_136 : f32 to vector<512x528xf32>
      %select_n3A_138 = arith.select %eq3A_135, %concatenate3A_51, %broadcast_in_dim3A_137 : vector<512x528xi1>, vector<512x528xf32>
      %reduce_min3A_139 = arith.constant dense<0x7F800000> : vector<512xf32>
      %reduce_min3A_140 = vector.multi_reduction <minimumf>, %select_n3A_138, %reduce_min3A_139 [1] : vector<512x528xf32> to vector<512xf32>
      %broadcast_in_dim3A_141 = vector.shape_cast %reduce_min3A_140 : vector<512xf32> to vector<512x1xf32>
      %eq3A_142 = vector.broadcast %broadcast_in_dim3A_141 : vector<512x1xf32> to vector<512x528xf32>
      %eq3A_143 = arith.cmpf oeq, %concatenate3A_51, %eq3A_142 : vector<512x528xf32>
      %jit3A_144 = arith.constant 3.000000e+38 : f32
      %broadcast_in_dim3A_145 = vector.broadcast %jit3A_144 : f32 to vector<512x528xf32>
      %select_n3A_146 = arith.select %eq3A_143, %broadcast_in_dim3A_145, %select_n3A_130 : vector<512x528xi1>, vector<512x528xf32>
      %reduce_min3A_147 = arith.constant dense<0x7F800000> : vector<512xf32>
      %reduce_min3A_148 = vector.multi_reduction <minimumf>, %select_n3A_146, %reduce_min3A_147 [1] : vector<512x528xf32> to vector<512xf32>
      %broadcast_in_dim3A_149 = vector.shape_cast %reduce_min3A_148 : vector<512xf32> to vector<512x1xf32>
      %eq3A_150 = vector.broadcast %broadcast_in_dim3A_149 : vector<512x1xf32> to vector<512x528xf32>
      %eq3A_151 = arith.cmpf oeq, %select_n3A_146, %eq3A_150 : vector<512x528xf32>
      %jit3A_152 = arith.constant 3.000000e+38 : f32
      %broadcast_in_dim3A_153 = vector.broadcast %jit3A_152 : f32 to vector<512x528xf32>
      %select_n3A_154 = arith.select %eq3A_151, %concatenate3A_51, %broadcast_in_dim3A_153 : vector<512x528xi1>, vector<512x528xf32>
      %reduce_min3A_155 = arith.constant dense<0x7F800000> : vector<512xf32>
      %reduce_min3A_156 = vector.multi_reduction <minimumf>, %select_n3A_154, %reduce_min3A_155 [1] : vector<512x528xf32> to vector<512xf32>
      %broadcast_in_dim3A_157 = vector.shape_cast %reduce_min3A_156 : vector<512xf32> to vector<512x1xf32>
      %eq3A_158 = vector.broadcast %broadcast_in_dim3A_157 : vector<512x1xf32> to vector<512x528xf32>
      %eq3A_159 = arith.cmpf oeq, %concatenate3A_51, %eq3A_158 : vector<512x528xf32>
      %jit3A_160 = arith.constant 3.000000e+38 : f32
      %broadcast_in_dim3A_161 = vector.broadcast %jit3A_160 : f32 to vector<512x528xf32>
      %select_n3A_162 = arith.select %eq3A_159, %broadcast_in_dim3A_161, %select_n3A_146 : vector<512x528xi1>, vector<512x528xf32>
      %reduce_min3A_163 = arith.constant dense<0x7F800000> : vector<512xf32>
      %reduce_min3A_164 = vector.multi_reduction <minimumf>, %select_n3A_162, %reduce_min3A_163 [1] : vector<512x528xf32> to vector<512xf32>
      %broadcast_in_dim3A_165 = vector.shape_cast %reduce_min3A_164 : vector<512xf32> to vector<512x1xf32>
      %eq3A_166 = vector.broadcast %broadcast_in_dim3A_165 : vector<512x1xf32> to vector<512x528xf32>
      %eq3A_167 = arith.cmpf oeq, %select_n3A_162, %eq3A_166 : vector<512x528xf32>
      %jit3A_168 = arith.constant 3.000000e+38 : f32
      %broadcast_in_dim3A_169 = vector.broadcast %jit3A_168 : f32 to vector<512x528xf32>
      %select_n3A_170 = arith.select %eq3A_167, %concatenate3A_51, %broadcast_in_dim3A_169 : vector<512x528xi1>, vector<512x528xf32>
      %reduce_min3A_171 = arith.constant dense<0x7F800000> : vector<512xf32>
      %reduce_min3A_172 = vector.multi_reduction <minimumf>, %select_n3A_170, %reduce_min3A_171 [1] : vector<512x528xf32> to vector<512xf32>
      %broadcast_in_dim3A_173 = vector.shape_cast %reduce_min3A_172 : vector<512xf32> to vector<512x1xf32>
      %eq3A_174 = vector.broadcast %broadcast_in_dim3A_173 : vector<512x1xf32> to vector<512x528xf32>
      %eq3A_175 = arith.cmpf oeq, %concatenate3A_51, %eq3A_174 : vector<512x528xf32>
      %jit3A_176 = arith.constant 3.000000e+38 : f32
      %broadcast_in_dim3A_177 = vector.broadcast %jit3A_176 : f32 to vector<512x528xf32>
      %select_n3A_178 = arith.select %eq3A_175, %broadcast_in_dim3A_177, %select_n3A_162 : vector<512x528xi1>, vector<512x528xf32>
      %reduce_min3A_179 = arith.constant dense<0x7F800000> : vector<512xf32>
      %reduce_min3A_180 = vector.multi_reduction <minimumf>, %select_n3A_178, %reduce_min3A_179 [1] : vector<512x528xf32> to vector<512xf32>
      %broadcast_in_dim3A_181 = vector.shape_cast %reduce_min3A_180 : vector<512xf32> to vector<512x1xf32>
      %eq3A_182 = vector.broadcast %broadcast_in_dim3A_181 : vector<512x1xf32> to vector<512x528xf32>
      %eq3A_183 = arith.cmpf oeq, %select_n3A_178, %eq3A_182 : vector<512x528xf32>
      %jit3A_184 = arith.constant 3.000000e+38 : f32
      %broadcast_in_dim3A_185 = vector.broadcast %jit3A_184 : f32 to vector<512x528xf32>
      %select_n3A_186 = arith.select %eq3A_183, %concatenate3A_51, %broadcast_in_dim3A_185 : vector<512x528xi1>, vector<512x528xf32>
      %reduce_min3A_187 = arith.constant dense<0x7F800000> : vector<512xf32>
      %reduce_min3A_188 = vector.multi_reduction <minimumf>, %select_n3A_186, %reduce_min3A_187 [1] : vector<512x528xf32> to vector<512xf32>
      %broadcast_in_dim3A_189 = vector.shape_cast %reduce_min3A_188 : vector<512xf32> to vector<512x1xf32>
      %eq3A_190 = vector.broadcast %broadcast_in_dim3A_189 : vector<512x1xf32> to vector<512x528xf32>
      %eq3A_191 = arith.cmpf oeq, %concatenate3A_51, %eq3A_190 : vector<512x528xf32>
      %jit3A_192 = arith.constant 3.000000e+38 : f32
      %broadcast_in_dim3A_193 = vector.broadcast %jit3A_192 : f32 to vector<512x528xf32>
      %select_n3A_194 = arith.select %eq3A_191, %broadcast_in_dim3A_193, %select_n3A_178 : vector<512x528xi1>, vector<512x528xf32>
      %reduce_min3A_195 = arith.constant dense<0x7F800000> : vector<512xf32>
      %reduce_min3A_196 = vector.multi_reduction <minimumf>, %select_n3A_194, %reduce_min3A_195 [1] : vector<512x528xf32> to vector<512xf32>
      %broadcast_in_dim3A_197 = vector.shape_cast %reduce_min3A_196 : vector<512xf32> to vector<512x1xf32>
      %eq3A_198 = vector.broadcast %broadcast_in_dim3A_197 : vector<512x1xf32> to vector<512x528xf32>
      %eq3A_199 = arith.cmpf oeq, %select_n3A_194, %eq3A_198 : vector<512x528xf32>
      %jit3A_200 = arith.constant 3.000000e+38 : f32
      %broadcast_in_dim3A_201 = vector.broadcast %jit3A_200 : f32 to vector<512x528xf32>
      %select_n3A_202 = arith.select %eq3A_199, %concatenate3A_51, %broadcast_in_dim3A_201 : vector<512x528xi1>, vector<512x528xf32>
      %reduce_min3A_203 = arith.constant dense<0x7F800000> : vector<512xf32>
      %reduce_min3A_204 = vector.multi_reduction <minimumf>, %select_n3A_202, %reduce_min3A_203 [1] : vector<512x528xf32> to vector<512xf32>
      %broadcast_in_dim3A_205 = vector.shape_cast %reduce_min3A_204 : vector<512xf32> to vector<512x1xf32>
      %eq3A_206 = vector.broadcast %broadcast_in_dim3A_205 : vector<512x1xf32> to vector<512x528xf32>
      %eq3A_207 = arith.cmpf oeq, %concatenate3A_51, %eq3A_206 : vector<512x528xf32>
      %jit3A_208 = arith.constant 3.000000e+38 : f32
      %broadcast_in_dim3A_209 = vector.broadcast %jit3A_208 : f32 to vector<512x528xf32>
      %select_n3A_210 = arith.select %eq3A_207, %broadcast_in_dim3A_209, %select_n3A_194 : vector<512x528xi1>, vector<512x528xf32>
      %reduce_min3A_211 = arith.constant dense<0x7F800000> : vector<512xf32>
      %reduce_min3A_212 = vector.multi_reduction <minimumf>, %select_n3A_210, %reduce_min3A_211 [1] : vector<512x528xf32> to vector<512xf32>
      %broadcast_in_dim3A_213 = vector.shape_cast %reduce_min3A_212 : vector<512xf32> to vector<512x1xf32>
      %eq3A_214 = vector.broadcast %broadcast_in_dim3A_213 : vector<512x1xf32> to vector<512x528xf32>
      %eq3A_215 = arith.cmpf oeq, %select_n3A_210, %eq3A_214 : vector<512x528xf32>
      %jit3A_216 = arith.constant 3.000000e+38 : f32
      %broadcast_in_dim3A_217 = vector.broadcast %jit3A_216 : f32 to vector<512x528xf32>
      %select_n3A_218 = arith.select %eq3A_215, %concatenate3A_51, %broadcast_in_dim3A_217 : vector<512x528xi1>, vector<512x528xf32>
      %reduce_min3A_219 = arith.constant dense<0x7F800000> : vector<512xf32>
      %reduce_min3A_220 = vector.multi_reduction <minimumf>, %select_n3A_218, %reduce_min3A_219 [1] : vector<512x528xf32> to vector<512xf32>
      %broadcast_in_dim3A_221 = vector.shape_cast %reduce_min3A_220 : vector<512xf32> to vector<512x1xf32>
      %eq3A_222 = vector.broadcast %broadcast_in_dim3A_221 : vector<512x1xf32> to vector<512x528xf32>
      %eq3A_223 = arith.cmpf oeq, %concatenate3A_51, %eq3A_222 : vector<512x528xf32>
      %jit3A_224 = arith.constant 3.000000e+38 : f32
      %broadcast_in_dim3A_225 = vector.broadcast %jit3A_224 : f32 to vector<512x528xf32>
      %select_n3A_226 = arith.select %eq3A_223, %broadcast_in_dim3A_225, %select_n3A_210 : vector<512x528xi1>, vector<512x528xf32>
      %reduce_min3A_227 = arith.constant dense<0x7F800000> : vector<512xf32>
      %reduce_min3A_228 = vector.multi_reduction <minimumf>, %select_n3A_226, %reduce_min3A_227 [1] : vector<512x528xf32> to vector<512xf32>
      %broadcast_in_dim3A_229 = vector.shape_cast %reduce_min3A_228 : vector<512xf32> to vector<512x1xf32>
      %eq3A_230 = vector.broadcast %broadcast_in_dim3A_229 : vector<512x1xf32> to vector<512x528xf32>
      %eq3A_231 = arith.cmpf oeq, %select_n3A_226, %eq3A_230 : vector<512x528xf32>
      %jit3A_232 = arith.constant 3.000000e+38 : f32
      %broadcast_in_dim3A_233 = vector.broadcast %jit3A_232 : f32 to vector<512x528xf32>
      %select_n3A_234 = arith.select %eq3A_231, %concatenate3A_51, %broadcast_in_dim3A_233 : vector<512x528xi1>, vector<512x528xf32>
      %reduce_min3A_235 = arith.constant dense<0x7F800000> : vector<512xf32>
      %reduce_min3A_236 = vector.multi_reduction <minimumf>, %select_n3A_234, %reduce_min3A_235 [1] : vector<512x528xf32> to vector<512xf32>
      %broadcast_in_dim3A_237 = vector.shape_cast %reduce_min3A_236 : vector<512xf32> to vector<512x1xf32>
      %eq3A_238 = vector.broadcast %broadcast_in_dim3A_237 : vector<512x1xf32> to vector<512x528xf32>
      %eq3A_239 = arith.cmpf oeq, %concatenate3A_51, %eq3A_238 : vector<512x528xf32>
      %jit3A_240 = arith.constant 3.000000e+38 : f32
      %broadcast_in_dim3A_241 = vector.broadcast %jit3A_240 : f32 to vector<512x528xf32>
      %select_n3A_242 = arith.select %eq3A_239, %broadcast_in_dim3A_241, %select_n3A_226 : vector<512x528xi1>, vector<512x528xf32>
      %reduce_min3A_243 = arith.constant dense<0x7F800000> : vector<512xf32>
      %reduce_min3A_244 = vector.multi_reduction <minimumf>, %select_n3A_242, %reduce_min3A_243 [1] : vector<512x528xf32> to vector<512xf32>
      %broadcast_in_dim3A_245 = vector.shape_cast %reduce_min3A_244 : vector<512xf32> to vector<512x1xf32>
      %eq3A_246 = vector.broadcast %broadcast_in_dim3A_245 : vector<512x1xf32> to vector<512x528xf32>
      %eq3A_247 = arith.cmpf oeq, %select_n3A_242, %eq3A_246 : vector<512x528xf32>
      %jit3A_248 = arith.constant 3.000000e+38 : f32
      %broadcast_in_dim3A_249 = vector.broadcast %jit3A_248 : f32 to vector<512x528xf32>
      %select_n3A_250 = arith.select %eq3A_247, %concatenate3A_51, %broadcast_in_dim3A_249 : vector<512x528xi1>, vector<512x528xf32>
      %reduce_min3A_251 = arith.constant dense<0x7F800000> : vector<512xf32>
      %reduce_min3A_252 = vector.multi_reduction <minimumf>, %select_n3A_250, %reduce_min3A_251 [1] : vector<512x528xf32> to vector<512xf32>
      %broadcast_in_dim3A_253 = vector.shape_cast %reduce_min3A_252 : vector<512xf32> to vector<512x1xf32>
      %eq3A_254 = vector.broadcast %broadcast_in_dim3A_253 : vector<512x1xf32> to vector<512x528xf32>
      %eq3A_255 = arith.cmpf oeq, %concatenate3A_51, %eq3A_254 : vector<512x528xf32>
      %jit3A_256 = arith.constant 3.000000e+38 : f32
      %broadcast_in_dim3A_257 = vector.broadcast %jit3A_256 : f32 to vector<512x528xf32>
      %select_n3A_258 = arith.select %eq3A_255, %broadcast_in_dim3A_257, %select_n3A_242 : vector<512x528xi1>, vector<512x528xf32>
      %reduce_min3A_259 = arith.constant dense<0x7F800000> : vector<512xf32>
      %reduce_min3A_260 = vector.multi_reduction <minimumf>, %select_n3A_258, %reduce_min3A_259 [1] : vector<512x528xf32> to vector<512xf32>
      %broadcast_in_dim3A_261 = vector.shape_cast %reduce_min3A_260 : vector<512xf32> to vector<512x1xf32>
      %eq3A_262 = vector.broadcast %broadcast_in_dim3A_261 : vector<512x1xf32> to vector<512x528xf32>
      %eq3A_263 = arith.cmpf oeq, %select_n3A_258, %eq3A_262 : vector<512x528xf32>
      %jit3A_264 = arith.constant 3.000000e+38 : f32
      %broadcast_in_dim3A_265 = vector.broadcast %jit3A_264 : f32 to vector<512x528xf32>
      %select_n3A_266 = arith.select %eq3A_263, %concatenate3A_51, %broadcast_in_dim3A_265 : vector<512x528xi1>, vector<512x528xf32>
      %reduce_min3A_267 = arith.constant dense<0x7F800000> : vector<512xf32>
      %reduce_min3A_268 = vector.multi_reduction <minimumf>, %select_n3A_266, %reduce_min3A_267 [1] : vector<512x528xf32> to vector<512xf32>
      %broadcast_in_dim3A_269 = vector.shape_cast %reduce_min3A_268 : vector<512xf32> to vector<512x1xf32>
      %eq3A_270 = vector.broadcast %broadcast_in_dim3A_269 : vector<512x1xf32> to vector<512x528xf32>
      %eq3A_271 = arith.cmpf oeq, %concatenate3A_51, %eq3A_270 : vector<512x528xf32>
      %jit3A_272 = arith.constant 3.000000e+38 : f32
      %broadcast_in_dim3A_273 = vector.broadcast %jit3A_272 : f32 to vector<512x528xf32>
      %select_n3A_274 = arith.select %eq3A_271, %broadcast_in_dim3A_273, %select_n3A_258 : vector<512x528xi1>, vector<512x528xf32>
      %reduce_min3A_275 = arith.constant dense<0x7F800000> : vector<512xf32>
      %reduce_min3A_276 = vector.multi_reduction <minimumf>, %select_n3A_274, %reduce_min3A_275 [1] : vector<512x528xf32> to vector<512xf32>
      %broadcast_in_dim3A_277 = vector.shape_cast %reduce_min3A_276 : vector<512xf32> to vector<512x1xf32>
      %eq3A_278 = vector.broadcast %broadcast_in_dim3A_277 : vector<512x1xf32> to vector<512x528xf32>
      %eq3A_279 = arith.cmpf oeq, %select_n3A_274, %eq3A_278 : vector<512x528xf32>
      %jit3A_280 = arith.constant 3.000000e+38 : f32
      %broadcast_in_dim3A_281 = vector.broadcast %jit3A_280 : f32 to vector<512x528xf32>
      %select_n3A_282 = arith.select %eq3A_279, %concatenate3A_51, %broadcast_in_dim3A_281 : vector<512x528xi1>, vector<512x528xf32>
      %reduce_min3A_283 = arith.constant dense<0x7F800000> : vector<512xf32>
      %reduce_min3A_284 = vector.multi_reduction <minimumf>, %select_n3A_282, %reduce_min3A_283 [1] : vector<512x528xf32> to vector<512xf32>
      %broadcast_in_dim3A_285 = vector.shape_cast %reduce_min3A_284 : vector<512xf32> to vector<512x1xf32>
      %eq3A_286 = vector.broadcast %broadcast_in_dim3A_285 : vector<512x1xf32> to vector<512x528xf32>
      %eq3A_287 = arith.cmpf oeq, %concatenate3A_51, %eq3A_286 : vector<512x528xf32>
      %jit3A_288 = arith.constant 3.000000e+38 : f32
      %broadcast_in_dim3A_289 = vector.broadcast %jit3A_288 : f32 to vector<512x528xf32>
      %select_n3A_290 = arith.select %eq3A_287, %broadcast_in_dim3A_289, %select_n3A_274 : vector<512x528xi1>, vector<512x528xf32>
      %reduce_min3A_291 = arith.constant dense<0x7F800000> : vector<512xf32>
      %reduce_min3A_292 = vector.multi_reduction <minimumf>, %select_n3A_290, %reduce_min3A_291 [1] : vector<512x528xf32> to vector<512xf32>
      %broadcast_in_dim3A_293 = vector.shape_cast %reduce_min3A_292 : vector<512xf32> to vector<512x1xf32>
      %eq3A_294 = vector.broadcast %broadcast_in_dim3A_293 : vector<512x1xf32> to vector<512x528xf32>
      %eq3A_295 = arith.cmpf oeq, %select_n3A_290, %eq3A_294 : vector<512x528xf32>
      %jit3A_296 = arith.constant 3.000000e+38 : f32
      %broadcast_in_dim3A_297 = vector.broadcast %jit3A_296 : f32 to vector<512x528xf32>
      %select_n3A_298 = arith.select %eq3A_295, %concatenate3A_51, %broadcast_in_dim3A_297 : vector<512x528xi1>, vector<512x528xf32>
      %reduce_min3A_299 = arith.constant dense<0x7F800000> : vector<512xf32>
      %reduce_min3A_300 = vector.multi_reduction <minimumf>, %select_n3A_298, %reduce_min3A_299 [1] : vector<512x528xf32> to vector<512xf32>
      %broadcast_in_dim3A_301 = vector.shape_cast %reduce_min3A_300 : vector<512xf32> to vector<512x1xf32>
      %concatenate3A_302 = tpu.concatenate %broadcast_in_dim3A_53, %broadcast_in_dim3A_69, %broadcast_in_dim3A_85, %broadcast_in_dim3A_101, %broadcast_in_dim3A_117, %broadcast_in_dim3A_133, %broadcast_in_dim3A_149, %broadcast_in_dim3A_165, %broadcast_in_dim3A_181, %broadcast_in_dim3A_197, %broadcast_in_dim3A_213, %broadcast_in_dim3A_229, %broadcast_in_dim3A_245, %broadcast_in_dim3A_261, %broadcast_in_dim3A_277, %broadcast_in_dim3A_293 in 1 : vector<512x1xf32>, vector<512x1xf32>, vector<512x1xf32>, vector<512x1xf32>, vector<512x1xf32>, vector<512x1xf32>, vector<512x1xf32>, vector<512x1xf32>, vector<512x1xf32>, vector<512x1xf32>, vector<512x1xf32>, vector<512x1xf32>, vector<512x1xf32>, vector<512x1xf32>, vector<512x1xf32>, vector<512x1xf32> -> vector<512x16xf32>
      %swap3A = arith.constant 0 : index
      %swap3A_303 = arith.constant 0 : index
      %swap3A_304 = vector.load %arg9[%swap3A, %swap3A_303] : memref<512x16xf32, #tpu.memory_space<vmem>>, vector<512x16xf32>
      tpu.vector_store %arg9[%swap3A, %swap3A_303], %concatenate3A_302 {strides = array<i32>} : memref<512x16xf32, #tpu.memory_space<vmem>>, vector<512x16xf32>,
      %concatenate3A_305 = tpu.concatenate %broadcast_in_dim3A_61, %broadcast_in_dim3A_77, %broadcast_in_dim3A_93, %broadcast_in_dim3A_109, %broadcast_in_dim3A_125, %broadcast_in_dim3A_141, %broadcast_in_dim3A_157, %broadcast_in_dim3A_173, %broadcast_in_dim3A_189, %broadcast_in_dim3A_205, %broadcast_in_dim3A_221, %broadcast_in_dim3A_237, %broadcast_in_dim3A_253, %broadcast_in_dim3A_269, %broadcast_in_dim3A_285, %broadcast_in_dim3A_301 in 1 : vector<512x1xf32>, vector<512x1xf32>, vector<512x1xf32>, vector<512x1xf32>, vector<512x1xf32>, vector<512x1xf32>, vector<512x1xf32>, vector<512x1xf32>, vector<512x1xf32>, vector<512x1xf32>, vector<512x1xf32>, vector<512x1xf32>, vector<512x1xf32>, vector<512x1xf32>, vector<512x1xf32>, vector<512x1xf32> -> vector<512x16xf32>
      %swap3A_306 = arith.constant 0 : index
      %swap3A_307 = arith.constant 0 : index
      %swap3A_308 = vector.load %arg10[%swap3A_306, %swap3A_307] : memref<512x16xf32, #tpu.memory_space<vmem>>, vector<512x16xf32>
      tpu.vector_store %arg10[%swap3A_306, %swap3A_307], %concatenate3A_305 {strides = array<i32>} : memref<512x16xf32, #tpu.memory_space<vmem>>, vector<512x16xf32>,
    } else {
    }
    %eq3A_8 = arith.constant 15 : i32
    %eq3A_9 = arith.cmpi eq, %arg1, %eq3A_8 : i32
    %convert_element_type3A_10 = arith.extui %eq3A_9 : i1 to i32
    %cond3A_11 = arith.constant 0 : i32
    %cond3A_12 = arith.cmpi ne, %convert_element_type3A_10, %cond3A_11 : i32
    scf.if %cond3A_12 {
      %get3A_13 = arith.constant 0 : index
      %get3A_14 = arith.constant 0 : index
      %get3A_15 = vector.load %arg10[%get3A_13, %get3A_14] : memref<512x16xf32, #tpu.memory_space<vmem>>, vector<512x16xf32>
      %convert_element_type3A_16 = arith.fptosi %get3A_15 : vector<512x16xf32> to vector<512x16xi32>
      %swap3A = arith.constant 0 : index
      %swap3A_17 = arith.constant 0 : index
      %swap3A_18 = vector.load %arg8[%swap3A, %swap3A_17] : memref<512x16xi32, #tpu.memory_space<vmem>>, vector<512x16xi32>
      tpu.vector_store %arg8[%swap3A, %swap3A_17], %convert_element_type3A_16 {strides = array<i32>} : memref<512x16xi32, #tpu.memory_space<vmem>>, vector<512x16xi32>,
    } else {
    }
    return
  }
  func.func @transform_0(%arg0: i32, %arg1: i32, %arg2: memref<16xi32, #tpu.memory_space<smem>>, %arg3: memref<16xi32, #tpu.memory_space<smem>>) -> (i32, i32) {
    %c0_i32 = arith.constant 0 : i32
    %c0_i32_0 = arith.constant 0 : i32
    return %arg0, %c0_i32 : i32, i32
  }
  func.func @transform_1(%arg0: i32, %arg1: i32, %arg2: memref<16xi32, #tpu.memory_space<smem>>, %arg3: memref<16xi32, #tpu.memory_space<smem>>) -> (i32, i32) {
    %get3A = arith.index_cast %arg0 : i32 to index
    %get3A_0 = memref.load %arg2[%get3A] : memref<16xi32, #tpu.memory_space<smem>>
    %get3A_1 = arith.index_cast %arg0 : i32 to index
    %get3A_2 = memref.load %arg3[%get3A_1] : memref<16xi32, #tpu.memory_space<smem>>
    %max3A = arith.maxsi %get3A_0, %arg1 : i32
    %min3A = arith.minsi %get3A_2, %max3A : i32
    %c0_i32 = arith.constant 0 : i32
    %c0_i32_3 = arith.constant 0 : i32
    return %c0_i32, %min3A : i32, i32
  }
  func.func @transform_2(%arg0: i32, %arg1: i32, %arg2: memref<16xi32, #tpu.memory_space<smem>>, %arg3: memref<16xi32, #tpu.memory_space<smem>>) -> (i32, i32) {
    %c0_i32 = arith.constant 0 : i32
    %c0_i32_0 = arith.constant 0 : i32
    return %arg0, %c0_i32 : i32, i32
  }
  func.func @transform_3(%arg0: i32, %arg1: i32, %arg2: memref<16xi32, #tpu.memory_space<smem>>, %arg3: memref<16xi32, #tpu.memory_space<smem>>) -> (i32, i32) {
    %get3A = arith.index_cast %arg0 : i32 to index
    %get3A_0 = memref.load %arg2[%get3A] : memref<16xi32, #tpu.memory_space<smem>>
    %get3A_1 = arith.index_cast %arg0 : i32 to index
    %get3A_2 = memref.load %arg3[%get3A_1] : memref<16xi32, #tpu.memory_space<smem>>
    %max3A = arith.maxsi %get3A_0, %arg1 : i32
    %min3A = arith.minsi %get3A_2, %max3A : i32
    %c0_i32 = arith.constant 0 : i32
    %c0_i32_3 = arith.constant 0 : i32
    return %c0_i32, %min3A : i32, i32
  }
  func.func @transform_4(%arg0: i32, %arg1: i32, %arg2: memref<16xi32, #tpu.memory_space<smem>>, %arg3: memref<16xi32, #tpu.memory_space<smem>>) -> (i32, i32) {
    %c0_i32 = arith.constant 0 : i32
    %c0_i32_0 = arith.constant 0 : i32
    return %arg0, %c0_i32 : i32, i32
  }
}

module attributes {stable_mosaic.version = 14 : i64} {
  func.func @_mm_body(%arg0: i32, %arg1: memref<512x128xf32, #tpu.memory_space<vmem>>, %arg2: memref<128x512xf32, #tpu.memory_space<vmem>>, %arg3: memref<512x256xf32, #tpu.memory_space<vmem>>, %arg4: memref<512x128xi32, #tpu.memory_space<vmem>>) attributes {dimension_semantics = [#tpu.dimension_semantics<arbitrary>], iteration_bounds = array<i64: 16>, scalar_prefetch = 0 : i64, scratch_operands = 0 : i64, tpu.core_type = #tpu.core_type<tc>, window_params = [{transform_indices = @transform_0, window_bounds = array<i64: 512, 128>}, {pipeline_mode = #tpu.pipeline_mode<synchronous>, transform_indices = @transform_1, window_bounds = array<i64: 128, 512>}, {transform_indices = @transform_2, window_bounds = array<i64: 512, 256>}, {transform_indices = @transform_3, window_bounds = array<i64: 512, 128>}]} {
    %get3A = arith.constant 0 : index
    %get3A_0 = arith.constant 0 : index
    %get3A_1 = vector.load %arg1[%get3A, %get3A_0] : memref<512x128xf32, #tpu.memory_space<vmem>>, vector<512x128xf32>
    %get3A_2 = arith.constant 0 : index
    %get3A_3 = arith.constant 0 : index
    %get3A_4 = vector.load %arg2[%get3A_2, %get3A_3] : memref<128x512xf32, #tpu.memory_space<vmem>>, vector<128x512xf32>
    %dot_general3A = arith.constant dense<0.000000e+00> : vector<512x512xf32>
    %dot_general3A_5 = tpu.matmul %get3A_1, %get3A_4, %dot_general3A {dimension_numbers = #tpu.dot_dimension_numbers<[1], [0], [0], [1], [0, 0, 1, 1], [], []>, transpose_lhs_hint = false} : vector<512x128xf32>, vector<128x512xf32>, vector<512x512xf32> -> vector<512x512xf32>
    %slice3A = vector.extract_strided_slice %dot_general3A_5 {offsets = [0, 0], sizes = [512, 256], strides = [1, 1]} : vector<512x512xf32> to vector<512x256xf32>
    %swap3A = arith.constant 0 : index
    %swap3A_6 = arith.constant 0 : index
    %swap3A_7 = vector.load %arg3[%swap3A, %swap3A_6] : memref<512x256xf32, #tpu.memory_space<vmem>>, vector<512x256xf32>
    tpu.vector_store %arg3[%swap3A, %swap3A_6], %slice3A {strides = array<i32>} : memref<512x256xf32, #tpu.memory_space<vmem>>, vector<512x256xf32>,
    %slice3A_8 = vector.extract_strided_slice %dot_general3A_5 {offsets = [0, 256], sizes = [512, 128], strides = [1, 1]} : vector<512x512xf32> to vector<512x128xf32>
    %bitcast_convert_type3A = tpu.bitcast %slice3A_8 : vector<512x128xf32> -> vector<512x128xi32>
    %add3A = arith.constant 32767 : i32
    %add3A_9 = vector.broadcast %add3A : i32 to vector<512x128xi32>
    %add3A_10 = arith.addi %bitcast_convert_type3A, %add3A_9 : vector<512x128xi32>
    %shift_right_arithmetic3A = arith.constant 16 : i32
    %shift_right_arithmetic3A_11 = vector.broadcast %shift_right_arithmetic3A : i32 to vector<512x128xi32>
    %shift_right_arithmetic3A_12 = arith.shrsi %bitcast_convert_type3A, %shift_right_arithmetic3A_11 : vector<512x128xi32>
    %and3A = arith.constant 1 : i32
    %and3A_13 = vector.broadcast %and3A : i32 to vector<512x128xi32>
    %and3A_14 = arith.andi %shift_right_arithmetic3A_12, %and3A_13 : vector<512x128xi32>
    %add3A_15 = arith.addi %add3A_10, %and3A_14 : vector<512x128xi32>
    %shift_right_arithmetic3A_16 = arith.constant 16 : i32
    %shift_right_arithmetic3A_17 = vector.broadcast %shift_right_arithmetic3A_16 : i32 to vector<512x128xi32>
    %shift_right_arithmetic3A_18 = arith.shrsi %add3A_15, %shift_right_arithmetic3A_17 : vector<512x128xi32>
    %and3A_19 = arith.constant 65535 : i32
    %and3A_20 = vector.broadcast %and3A_19 : i32 to vector<512x128xi32>
    %and3A_21 = arith.andi %shift_right_arithmetic3A_18, %and3A_20 : vector<512x128xi32>
    %slice3A_22 = vector.extract_strided_slice %dot_general3A_5 {offsets = [0, 384], sizes = [512, 128], strides = [1, 1]} : vector<512x512xf32> to vector<512x128xf32>
    %bitcast_convert_type3A_23 = tpu.bitcast %slice3A_22 : vector<512x128xf32> -> vector<512x128xi32>
    %add3A_24 = arith.constant 32767 : i32
    %add3A_25 = vector.broadcast %add3A_24 : i32 to vector<512x128xi32>
    %add3A_26 = arith.addi %bitcast_convert_type3A_23, %add3A_25 : vector<512x128xi32>
    %shift_right_arithmetic3A_27 = arith.constant 16 : i32
    %shift_right_arithmetic3A_28 = vector.broadcast %shift_right_arithmetic3A_27 : i32 to vector<512x128xi32>
    %shift_right_arithmetic3A_29 = arith.shrsi %bitcast_convert_type3A_23, %shift_right_arithmetic3A_28 : vector<512x128xi32>
    %and3A_30 = arith.constant 1 : i32
    %and3A_31 = vector.broadcast %and3A_30 : i32 to vector<512x128xi32>
    %and3A_32 = arith.andi %shift_right_arithmetic3A_29, %and3A_31 : vector<512x128xi32>
    %add3A_33 = arith.addi %add3A_26, %and3A_32 : vector<512x128xi32>
    %shift_right_arithmetic3A_34 = arith.constant 16 : i32
    %shift_right_arithmetic3A_35 = vector.broadcast %shift_right_arithmetic3A_34 : i32 to vector<512x128xi32>
    %shift_right_arithmetic3A_36 = arith.shrsi %add3A_33, %shift_right_arithmetic3A_35 : vector<512x128xi32>
    %and3A_37 = arith.constant 65535 : i32
    %and3A_38 = vector.broadcast %and3A_37 : i32 to vector<512x128xi32>
    %and3A_39 = arith.andi %shift_right_arithmetic3A_36, %and3A_38 : vector<512x128xi32>
    %shift_left3A = arith.constant 16 : i32
    %shift_left3A_40 = vector.broadcast %shift_left3A : i32 to vector<512x128xi32>
    %shift_left3A_41 = arith.shli %and3A_39, %shift_left3A_40 : vector<512x128xi32>
    %or3A = arith.ori %and3A_21, %shift_left3A_41 : vector<512x128xi32>
    %swap3A_42 = arith.constant 0 : index
    %swap3A_43 = arith.constant 0 : index
    %swap3A_44 = vector.load %arg4[%swap3A_42, %swap3A_43] : memref<512x128xi32, #tpu.memory_space<vmem>>, vector<512x128xi32>
    tpu.vector_store %arg4[%swap3A_42, %swap3A_43], %or3A {strides = array<i32>} : memref<512x128xi32, #tpu.memory_space<vmem>>, vector<512x128xi32>,
    return
  }
  func.func @transform_0(%arg0: i32) -> (i32, i32) {
    %c0_i32 = arith.constant 0 : i32
    %c0_i32_0 = arith.constant 0 : i32
    return %arg0, %c0_i32 : i32, i32
  }
  func.func @transform_1(%arg0: i32) -> (i32, i32) {
    %c0_i32 = arith.constant 0 : i32
    %c0_i32_0 = arith.constant 0 : i32
    %c0_i32_1 = arith.constant 0 : i32
    return %c0_i32, %c0_i32_0 : i32, i32
  }
  func.func @transform_2(%arg0: i32) -> (i32, i32) {
    %c0_i32 = arith.constant 0 : i32
    %c0_i32_0 = arith.constant 0 : i32
    return %arg0, %c0_i32 : i32, i32
  }
  func.func @transform_3(%arg0: i32) -> (i32, i32) {
    %c0_i32 = arith.constant 0 : i32
    %c0_i32_0 = arith.constant 0 : i32
    return %arg0, %c0_i32 : i32, i32
  }
}

module attributes {stable_mosaic.version = 14 : i64} {
  func.func @_bn_out_body(%arg0: i32, %arg1: memref<16x128x128xi32, #tpu.memory_space<vmem>>, %arg2: memref<128x256xf32, #tpu.memory_space<vmem>>, %arg3: memref<1x256xf32, #tpu.memory_space<vmem>>, %arg4: memref<1x256xf32, #tpu.memory_space<vmem>>, %arg5: memref<1x256xf32, #tpu.memory_space<vmem>>, %arg6: memref<128x256xf32, #tpu.memory_space<vmem>>, %arg7: memref<128x256xf32, #tpu.memory_space<vmem>>, %arg8: memref<128x256xf32, #tpu.memory_space<vmem>>, %arg9: memref<8x256xf32, #tpu.memory_space<vmem>>) attributes {dimension_semantics = [#tpu.dimension_semantics<arbitrary>], iteration_bounds = array<i64: 128>, scalar_prefetch = 0 : i64, scratch_operands = 3 : i64, tpu.core_type = #tpu.core_type<tc>, window_params = [{transform_indices = @transform_0, window_bounds = array<i64: 16, 128, 128>}, {transform_indices = @transform_1, window_bounds = array<i64: 128, 256>}, {pipeline_mode = #tpu.pipeline_mode<synchronous>, transform_indices = @transform_2, window_bounds = array<i64: 1, 256>}, {pipeline_mode = #tpu.pipeline_mode<synchronous>, transform_indices = @transform_3, window_bounds = array<i64: 1, 256>}, {pipeline_mode = #tpu.pipeline_mode<synchronous>, transform_indices = @transform_4, window_bounds = array<i64: 1, 256>}, {transform_indices = @transform_5, window_bounds = array<i64: 128, 256>}]} {
    %eq3A = arith.constant 0 : i32
    %eq3A_0 = arith.cmpi eq, %arg0, %eq3A : i32
    %convert_element_type3A = arith.extui %eq3A_0 : i1 to i32
    %cond3A = arith.constant 0 : i32
    %cond3A_1 = arith.cmpi ne, %convert_element_type3A, %cond3A : i32
    scf.if %cond3A_1 {
      %broadcast_in_dim3A = arith.constant 0.000000e+00 : f32
      %broadcast_in_dim3A_21 = vector.broadcast %broadcast_in_dim3A : f32 to vector<128x256xf32>
      %swap3A = arith.constant 0 : index
      %swap3A_22 = arith.constant 0 : index
      %swap3A_23 = vector.load %arg7[%swap3A, %swap3A_22] : memref<128x256xf32, #tpu.memory_space<vmem>>, vector<128x256xf32>
      tpu.vector_store %arg7[%swap3A, %swap3A_22], %broadcast_in_dim3A_21 {strides = array<i32>} : memref<128x256xf32, #tpu.memory_space<vmem>>, vector<128x256xf32>,
      %broadcast_in_dim3A_24 = arith.constant 0.000000e+00 : f32
      %broadcast_in_dim3A_25 = vector.broadcast %broadcast_in_dim3A_24 : f32 to vector<128x256xf32>
      %swap3A_26 = arith.constant 0 : index
      %swap3A_27 = arith.constant 0 : index
      %swap3A_28 = vector.load %arg8[%swap3A_26, %swap3A_27] : memref<128x256xf32, #tpu.memory_space<vmem>>, vector<128x256xf32>
      tpu.vector_store %arg8[%swap3A_26, %swap3A_27], %broadcast_in_dim3A_25 {strides = array<i32>} : memref<128x256xf32, #tpu.memory_space<vmem>>, vector<128x256xf32>,
    } else {
    }
    %get3A = arith.constant 0 : index
    %get3A_2 = arith.constant 0 : index
    %get3A_3 = vector.load %arg2[%get3A, %get3A_2] : memref<128x256xf32, #tpu.memory_space<vmem>>, vector<128x256xf32>
    %get3A_4 = arith.constant 0 : index
    %get3A_5 = arith.constant 0 : index
    %get3A_6 = vector.load %arg3[%get3A_4, %get3A_5] : memref<1x256xf32, #tpu.memory_space<vmem>>, vector<1x256xf32>
    %add3A = vector.broadcast %get3A_6 : vector<1x256xf32> to vector<128x256xf32>
    %add3A_7 = arith.addf %get3A_3, %add3A : vector<128x256xf32>
    %lt3A = arith.constant 64 : i32
    %lt3A_8 = arith.cmpi slt, %arg0, %lt3A : i32
    %convert_element_type3A_9 = arith.extui %lt3A_8 : i1 to i32
    %cond3A_10 = arith.constant 0 : i32
    %cond3A_11 = arith.cmpi ne, %convert_element_type3A_9, %cond3A_10 : i32
    scf.if %cond3A_11 {
      %broadcast_in_dim3A = arith.constant 0.000000e+00 : f32
      %broadcast_in_dim3A_21 = vector.broadcast %broadcast_in_dim3A : f32 to vector<128x256xf32>
      %broadcast_in_dim3A_22 = arith.constant 0.000000e+00 : f32
      %broadcast_in_dim3A_23 = vector.broadcast %broadcast_in_dim3A_22 : f32 to vector<128x256xf32>
      %get3A_24 = arith.constant 0 : index
      %get3A_25 = arith.constant 0 : index
      %get3A_26 = arith.constant 0 : index
      %get3A_27 = vector.load %arg1[%get3A_24, %get3A_25, %get3A_26] : memref<16x128x128xi32, #tpu.memory_space<vmem>>, vector<1x128x128xi32>
      %get3A_28 = vector.shape_cast %get3A_27 : vector<1x128x128xi32> to vector<128x128xi32>
      %shift_left3A = arith.constant 16 : i32
      %shift_left3A_29 = vector.broadcast %shift_left3A : i32 to vector<128x128xi32>
      %shift_left3A_30 = arith.shli %get3A_28, %shift_left3A_29 : vector<128x128xi32>
      %bitcast_convert_type3A = tpu.bitcast %shift_left3A_30 : vector<128x128xi32> -> vector<128x128xf32>
      %and3A = arith.constant -65536 : i32
      %and3A_31 = vector.broadcast %and3A : i32 to vector<128x128xi32>
      %and3A_32 = arith.andi %get3A_28, %and3A_31 : vector<128x128xi32>
      %bitcast_convert_type3A_33 = tpu.bitcast %and3A_32 : vector<128x128xi32> -> vector<128x128xf32>
      %concatenate3A = tpu.concatenate %bitcast_convert_type3A, %bitcast_convert_type3A_33 in 1 : vector<128x128xf32>, vector<128x128xf32> -> vector<128x256xf32>
      %add3A_34 = arith.addf %broadcast_in_dim3A_21, %concatenate3A : vector<128x256xf32>
      %add3A_35 = arith.addf %add3A_7, %concatenate3A : vector<128x256xf32>
      %mul3A = arith.mulf %add3A_35, %add3A_35 : vector<128x256xf32>
      %add3A_36 = arith.addf %broadcast_in_dim3A_23, %mul3A : vector<128x256xf32>
      %get3A_37 = arith.constant 1 : index
      %get3A_38 = arith.constant 0 : index
      %get3A_39 = arith.constant 0 : index
      %get3A_40 = vector.load %arg1[%get3A_37, %get3A_38, %get3A_39] : memref<16x128x128xi32, #tpu.memory_space<vmem>>, vector<1x128x128xi32>
      %get3A_41 = vector.shape_cast %get3A_40 : vector<1x128x128xi32> to vector<128x128xi32>
      %shift_left3A_42 = arith.constant 16 : i32
      %shift_left3A_43 = vector.broadcast %shift_left3A_42 : i32 to vector<128x128xi32>
      %shift_left3A_44 = arith.shli %get3A_41, %shift_left3A_43 : vector<128x128xi32>
      %bitcast_convert_type3A_45 = tpu.bitcast %shift_left3A_44 : vector<128x128xi32> -> vector<128x128xf32>
      %and3A_46 = arith.constant -65536 : i32
      %and3A_47 = vector.broadcast %and3A_46 : i32 to vector<128x128xi32>
      %and3A_48 = arith.andi %get3A_41, %and3A_47 : vector<128x128xi32>
      %bitcast_convert_type3A_49 = tpu.bitcast %and3A_48 : vector<128x128xi32> -> vector<128x128xf32>
      %concatenate3A_50 = tpu.concatenate %bitcast_convert_type3A_45, %bitcast_convert_type3A_49 in 1 : vector<128x128xf32>, vector<128x128xf32> -> vector<128x256xf32>
      %add3A_51 = arith.addf %add3A_34, %concatenate3A_50 : vector<128x256xf32>
      %add3A_52 = arith.addf %add3A_7, %concatenate3A_50 : vector<128x256xf32>
      %mul3A_53 = arith.mulf %add3A_52, %add3A_52 : vector<128x256xf32>
      %add3A_54 = arith.addf %add3A_36, %mul3A_53 : vector<128x256xf32>
      %get3A_55 = arith.constant 2 : index
      %get3A_56 = arith.constant 0 : index
      %get3A_57 = arith.constant 0 : index
      %get3A_58 = vector.load %arg1[%get3A_55, %get3A_56, %get3A_57] : memref<16x128x128xi32, #tpu.memory_space<vmem>>, vector<1x128x128xi32>
      %get3A_59 = vector.shape_cast %get3A_58 : vector<1x128x128xi32> to vector<128x128xi32>
      %shift_left3A_60 = arith.constant 16 : i32
      %shift_left3A_61 = vector.broadcast %shift_left3A_60 : i32 to vector<128x128xi32>
      %shift_left3A_62 = arith.shli %get3A_59, %shift_left3A_61 : vector<128x128xi32>
      %bitcast_convert_type3A_63 = tpu.bitcast %shift_left3A_62 : vector<128x128xi32> -> vector<128x128xf32>
      %and3A_64 = arith.constant -65536 : i32
      %and3A_65 = vector.broadcast %and3A_64 : i32 to vector<128x128xi32>
      %and3A_66 = arith.andi %get3A_59, %and3A_65 : vector<128x128xi32>
      %bitcast_convert_type3A_67 = tpu.bitcast %and3A_66 : vector<128x128xi32> -> vector<128x128xf32>
      %concatenate3A_68 = tpu.concatenate %bitcast_convert_type3A_63, %bitcast_convert_type3A_67 in 1 : vector<128x128xf32>, vector<128x128xf32> -> vector<128x256xf32>
      %add3A_69 = arith.addf %add3A_51, %concatenate3A_68 : vector<128x256xf32>
      %add3A_70 = arith.addf %add3A_7, %concatenate3A_68 : vector<128x256xf32>
      %mul3A_71 = arith.mulf %add3A_70, %add3A_70 : vector<128x256xf32>
      %add3A_72 = arith.addf %add3A_54, %mul3A_71 : vector<128x256xf32>
      %get3A_73 = arith.constant 3 : index
      %get3A_74 = arith.constant 0 : index
      %get3A_75 = arith.constant 0 : index
      %get3A_76 = vector.load %arg1[%get3A_73, %get3A_74, %get3A_75] : memref<16x128x128xi32, #tpu.memory_space<vmem>>, vector<1x128x128xi32>
      %get3A_77 = vector.shape_cast %get3A_76 : vector<1x128x128xi32> to vector<128x128xi32>
      %shift_left3A_78 = arith.constant 16 : i32
      %shift_left3A_79 = vector.broadcast %shift_left3A_78 : i32 to vector<128x128xi32>
      %shift_left3A_80 = arith.shli %get3A_77, %shift_left3A_79 : vector<128x128xi32>
      %bitcast_convert_type3A_81 = tpu.bitcast %shift_left3A_80 : vector<128x128xi32> -> vector<128x128xf32>
      %and3A_82 = arith.constant -65536 : i32
      %and3A_83 = vector.broadcast %and3A_82 : i32 to vector<128x128xi32>
      %and3A_84 = arith.andi %get3A_77, %and3A_83 : vector<128x128xi32>
      %bitcast_convert_type3A_85 = tpu.bitcast %and3A_84 : vector<128x128xi32> -> vector<128x128xf32>
      %concatenate3A_86 = tpu.concatenate %bitcast_convert_type3A_81, %bitcast_convert_type3A_85 in 1 : vector<128x128xf32>, vector<128x128xf32> -> vector<128x256xf32>
      %add3A_87 = arith.addf %add3A_69, %concatenate3A_86 : vector<128x256xf32>
      %add3A_88 = arith.addf %add3A_7, %concatenate3A_86 : vector<128x256xf32>
      %mul3A_89 = arith.mulf %add3A_88, %add3A_88 : vector<128x256xf32>
      %add3A_90 = arith.addf %add3A_72, %mul3A_89 : vector<128x256xf32>
      %get3A_91 = arith.constant 4 : index
      %get3A_92 = arith.constant 0 : index
      %get3A_93 = arith.constant 0 : index
      %get3A_94 = vector.load %arg1[%get3A_91, %get3A_92, %get3A_93] : memref<16x128x128xi32, #tpu.memory_space<vmem>>, vector<1x128x128xi32>
      %get3A_95 = vector.shape_cast %get3A_94 : vector<1x128x128xi32> to vector<128x128xi32>
      %shift_left3A_96 = arith.constant 16 : i32
      %shift_left3A_97 = vector.broadcast %shift_left3A_96 : i32 to vector<128x128xi32>
      %shift_left3A_98 = arith.shli %get3A_95, %shift_left3A_97 : vector<128x128xi32>
      %bitcast_convert_type3A_99 = tpu.bitcast %shift_left3A_98 : vector<128x128xi32> -> vector<128x128xf32>
      %and3A_100 = arith.constant -65536 : i32
      %and3A_101 = vector.broadcast %and3A_100 : i32 to vector<128x128xi32>
      %and3A_102 = arith.andi %get3A_95, %and3A_101 : vector<128x128xi32>
      %bitcast_convert_type3A_103 = tpu.bitcast %and3A_102 : vector<128x128xi32> -> vector<128x128xf32>
      %concatenate3A_104 = tpu.concatenate %bitcast_convert_type3A_99, %bitcast_convert_type3A_103 in 1 : vector<128x128xf32>, vector<128x128xf32> -> vector<128x256xf32>
      %add3A_105 = arith.addf %add3A_87, %concatenate3A_104 : vector<128x256xf32>
      %add3A_106 = arith.addf %add3A_7, %concatenate3A_104 : vector<128x256xf32>
      %mul3A_107 = arith.mulf %add3A_106, %add3A_106 : vector<128x256xf32>
      %add3A_108 = arith.addf %add3A_90, %mul3A_107 : vector<128x256xf32>
      %get3A_109 = arith.constant 5 : index
      %get3A_110 = arith.constant 0 : index
      %get3A_111 = arith.constant 0 : index
      %get3A_112 = vector.load %arg1[%get3A_109, %get3A_110, %get3A_111] : memref<16x128x128xi32, #tpu.memory_space<vmem>>, vector<1x128x128xi32>
      %get3A_113 = vector.shape_cast %get3A_112 : vector<1x128x128xi32> to vector<128x128xi32>
      %shift_left3A_114 = arith.constant 16 : i32
      %shift_left3A_115 = vector.broadcast %shift_left3A_114 : i32 to vector<128x128xi32>
      %shift_left3A_116 = arith.shli %get3A_113, %shift_left3A_115 : vector<128x128xi32>
      %bitcast_convert_type3A_117 = tpu.bitcast %shift_left3A_116 : vector<128x128xi32> -> vector<128x128xf32>
      %and3A_118 = arith.constant -65536 : i32
      %and3A_119 = vector.broadcast %and3A_118 : i32 to vector<128x128xi32>
      %and3A_120 = arith.andi %get3A_113, %and3A_119 : vector<128x128xi32>
      %bitcast_convert_type3A_121 = tpu.bitcast %and3A_120 : vector<128x128xi32> -> vector<128x128xf32>
      %concatenate3A_122 = tpu.concatenate %bitcast_convert_type3A_117, %bitcast_convert_type3A_121 in 1 : vector<128x128xf32>, vector<128x128xf32> -> vector<128x256xf32>
      %add3A_123 = arith.addf %add3A_105, %concatenate3A_122 : vector<128x256xf32>
      %add3A_124 = arith.addf %add3A_7, %concatenate3A_122 : vector<128x256xf32>
      %mul3A_125 = arith.mulf %add3A_124, %add3A_124 : vector<128x256xf32>
      %add3A_126 = arith.addf %add3A_108, %mul3A_125 : vector<128x256xf32>
      %get3A_127 = arith.constant 6 : index
      %get3A_128 = arith.constant 0 : index
      %get3A_129 = arith.constant 0 : index
      %get3A_130 = vector.load %arg1[%get3A_127, %get3A_128, %get3A_129] : memref<16x128x128xi32, #tpu.memory_space<vmem>>, vector<1x128x128xi32>
      %get3A_131 = vector.shape_cast %get3A_130 : vector<1x128x128xi32> to vector<128x128xi32>
      %shift_left3A_132 = arith.constant 16 : i32
      %shift_left3A_133 = vector.broadcast %shift_left3A_132 : i32 to vector<128x128xi32>
      %shift_left3A_134 = arith.shli %get3A_131, %shift_left3A_133 : vector<128x128xi32>
      %bitcast_convert_type3A_135 = tpu.bitcast %shift_left3A_134 : vector<128x128xi32> -> vector<128x128xf32>
      %and3A_136 = arith.constant -65536 : i32
      %and3A_137 = vector.broadcast %and3A_136 : i32 to vector<128x128xi32>
      %and3A_138 = arith.andi %get3A_131, %and3A_137 : vector<128x128xi32>
      %bitcast_convert_type3A_139 = tpu.bitcast %and3A_138 : vector<128x128xi32> -> vector<128x128xf32>
      %concatenate3A_140 = tpu.concatenate %bitcast_convert_type3A_135, %bitcast_convert_type3A_139 in 1 : vector<128x128xf32>, vector<128x128xf32> -> vector<128x256xf32>
      %add3A_141 = arith.addf %add3A_123, %concatenate3A_140 : vector<128x256xf32>
      %add3A_142 = arith.addf %add3A_7, %concatenate3A_140 : vector<128x256xf32>
      %mul3A_143 = arith.mulf %add3A_142, %add3A_142 : vector<128x256xf32>
      %add3A_144 = arith.addf %add3A_126, %mul3A_143 : vector<128x256xf32>
      %get3A_145 = arith.constant 7 : index
      %get3A_146 = arith.constant 0 : index
      %get3A_147 = arith.constant 0 : index
      %get3A_148 = vector.load %arg1[%get3A_145, %get3A_146, %get3A_147] : memref<16x128x128xi32, #tpu.memory_space<vmem>>, vector<1x128x128xi32>
      %get3A_149 = vector.shape_cast %get3A_148 : vector<1x128x128xi32> to vector<128x128xi32>
      %shift_left3A_150 = arith.constant 16 : i32
      %shift_left3A_151 = vector.broadcast %shift_left3A_150 : i32 to vector<128x128xi32>
      %shift_left3A_152 = arith.shli %get3A_149, %shift_left3A_151 : vector<128x128xi32>
      %bitcast_convert_type3A_153 = tpu.bitcast %shift_left3A_152 : vector<128x128xi32> -> vector<128x128xf32>
      %and3A_154 = arith.constant -65536 : i32
      %and3A_155 = vector.broadcast %and3A_154 : i32 to vector<128x128xi32>
      %and3A_156 = arith.andi %get3A_149, %and3A_155 : vector<128x128xi32>
      %bitcast_convert_type3A_157 = tpu.bitcast %and3A_156 : vector<128x128xi32> -> vector<128x128xf32>
      %concatenate3A_158 = tpu.concatenate %bitcast_convert_type3A_153, %bitcast_convert_type3A_157 in 1 : vector<128x128xf32>, vector<128x128xf32> -> vector<128x256xf32>
      %add3A_159 = arith.addf %add3A_141, %concatenate3A_158 : vector<128x256xf32>
      %add3A_160 = arith.addf %add3A_7, %concatenate3A_158 : vector<128x256xf32>
      %mul3A_161 = arith.mulf %add3A_160, %add3A_160 : vector<128x256xf32>
      %add3A_162 = arith.addf %add3A_144, %mul3A_161 : vector<128x256xf32>
      %get3A_163 = arith.constant 8 : index
      %get3A_164 = arith.constant 0 : index
      %get3A_165 = arith.constant 0 : index
      %get3A_166 = vector.load %arg1[%get3A_163, %get3A_164, %get3A_165] : memref<16x128x128xi32, #tpu.memory_space<vmem>>, vector<1x128x128xi32>
      %get3A_167 = vector.shape_cast %get3A_166 : vector<1x128x128xi32> to vector<128x128xi32>
      %shift_left3A_168 = arith.constant 16 : i32
      %shift_left3A_169 = vector.broadcast %shift_left3A_168 : i32 to vector<128x128xi32>
      %shift_left3A_170 = arith.shli %get3A_167, %shift_left3A_169 : vector<128x128xi32>
      %bitcast_convert_type3A_171 = tpu.bitcast %shift_left3A_170 : vector<128x128xi32> -> vector<128x128xf32>
      %and3A_172 = arith.constant -65536 : i32
      %and3A_173 = vector.broadcast %and3A_172 : i32 to vector<128x128xi32>
      %and3A_174 = arith.andi %get3A_167, %and3A_173 : vector<128x128xi32>
      %bitcast_convert_type3A_175 = tpu.bitcast %and3A_174 : vector<128x128xi32> -> vector<128x128xf32>
      %concatenate3A_176 = tpu.concatenate %bitcast_convert_type3A_171, %bitcast_convert_type3A_175 in 1 : vector<128x128xf32>, vector<128x128xf32> -> vector<128x256xf32>
      %add3A_177 = arith.addf %add3A_159, %concatenate3A_176 : vector<128x256xf32>
      %add3A_178 = arith.addf %add3A_7, %concatenate3A_176 : vector<128x256xf32>
      %mul3A_179 = arith.mulf %add3A_178, %add3A_178 : vector<128x256xf32>
      %add3A_180 = arith.addf %add3A_162, %mul3A_179 : vector<128x256xf32>
      %get3A_181 = arith.constant 9 : index
      %get3A_182 = arith.constant 0 : index
      %get3A_183 = arith.constant 0 : index
      %get3A_184 = vector.load %arg1[%get3A_181, %get3A_182, %get3A_183] : memref<16x128x128xi32, #tpu.memory_space<vmem>>, vector<1x128x128xi32>
      %get3A_185 = vector.shape_cast %get3A_184 : vector<1x128x128xi32> to vector<128x128xi32>
      %shift_left3A_186 = arith.constant 16 : i32
      %shift_left3A_187 = vector.broadcast %shift_left3A_186 : i32 to vector<128x128xi32>
      %shift_left3A_188 = arith.shli %get3A_185, %shift_left3A_187 : vector<128x128xi32>
      %bitcast_convert_type3A_189 = tpu.bitcast %shift_left3A_188 : vector<128x128xi32> -> vector<128x128xf32>
      %and3A_190 = arith.constant -65536 : i32
      %and3A_191 = vector.broadcast %and3A_190 : i32 to vector<128x128xi32>
      %and3A_192 = arith.andi %get3A_185, %and3A_191 : vector<128x128xi32>
      %bitcast_convert_type3A_193 = tpu.bitcast %and3A_192 : vector<128x128xi32> -> vector<128x128xf32>
      %concatenate3A_194 = tpu.concatenate %bitcast_convert_type3A_189, %bitcast_convert_type3A_193 in 1 : vector<128x128xf32>, vector<128x128xf32> -> vector<128x256xf32>
      %add3A_195 = arith.addf %add3A_177, %concatenate3A_194 : vector<128x256xf32>
      %add3A_196 = arith.addf %add3A_7, %concatenate3A_194 : vector<128x256xf32>
      %mul3A_197 = arith.mulf %add3A_196, %add3A_196 : vector<128x256xf32>
      %add3A_198 = arith.addf %add3A_180, %mul3A_197 : vector<128x256xf32>
      %get3A_199 = arith.constant 10 : index
      %get3A_200 = arith.constant 0 : index
      %get3A_201 = arith.constant 0 : index
      %get3A_202 = vector.load %arg1[%get3A_199, %get3A_200, %get3A_201] : memref<16x128x128xi32, #tpu.memory_space<vmem>>, vector<1x128x128xi32>
      %get3A_203 = vector.shape_cast %get3A_202 : vector<1x128x128xi32> to vector<128x128xi32>
      %shift_left3A_204 = arith.constant 16 : i32
      %shift_left3A_205 = vector.broadcast %shift_left3A_204 : i32 to vector<128x128xi32>
      %shift_left3A_206 = arith.shli %get3A_203, %shift_left3A_205 : vector<128x128xi32>
      %bitcast_convert_type3A_207 = tpu.bitcast %shift_left3A_206 : vector<128x128xi32> -> vector<128x128xf32>
      %and3A_208 = arith.constant -65536 : i32
      %and3A_209 = vector.broadcast %and3A_208 : i32 to vector<128x128xi32>
      %and3A_210 = arith.andi %get3A_203, %and3A_209 : vector<128x128xi32>
      %bitcast_convert_type3A_211 = tpu.bitcast %and3A_210 : vector<128x128xi32> -> vector<128x128xf32>
      %concatenate3A_212 = tpu.concatenate %bitcast_convert_type3A_207, %bitcast_convert_type3A_211 in 1 : vector<128x128xf32>, vector<128x128xf32> -> vector<128x256xf32>
      %add3A_213 = arith.addf %add3A_195, %concatenate3A_212 : vector<128x256xf32>
      %add3A_214 = arith.addf %add3A_7, %concatenate3A_212 : vector<128x256xf32>
      %mul3A_215 = arith.mulf %add3A_214, %add3A_214 : vector<128x256xf32>
      %add3A_216 = arith.addf %add3A_198, %mul3A_215 : vector<128x256xf32>
      %get3A_217 = arith.constant 11 : index
      %get3A_218 = arith.constant 0 : index
      %get3A_219 = arith.constant 0 : index
      %get3A_220 = vector.load %arg1[%get3A_217, %get3A_218, %get3A_219] : memref<16x128x128xi32, #tpu.memory_space<vmem>>, vector<1x128x128xi32>
      %get3A_221 = vector.shape_cast %get3A_220 : vector<1x128x128xi32> to vector<128x128xi32>
      %shift_left3A_222 = arith.constant 16 : i32
      %shift_left3A_223 = vector.broadcast %shift_left3A_222 : i32 to vector<128x128xi32>
      %shift_left3A_224 = arith.shli %get3A_221, %shift_left3A_223 : vector<128x128xi32>
      %bitcast_convert_type3A_225 = tpu.bitcast %shift_left3A_224 : vector<128x128xi32> -> vector<128x128xf32>
      %and3A_226 = arith.constant -65536 : i32
      %and3A_227 = vector.broadcast %and3A_226 : i32 to vector<128x128xi32>
      %and3A_228 = arith.andi %get3A_221, %and3A_227 : vector<128x128xi32>
      %bitcast_convert_type3A_229 = tpu.bitcast %and3A_228 : vector<128x128xi32> -> vector<128x128xf32>
      %concatenate3A_230 = tpu.concatenate %bitcast_convert_type3A_225, %bitcast_convert_type3A_229 in 1 : vector<128x128xf32>, vector<128x128xf32> -> vector<128x256xf32>
      %add3A_231 = arith.addf %add3A_213, %concatenate3A_230 : vector<128x256xf32>
      %add3A_232 = arith.addf %add3A_7, %concatenate3A_230 : vector<128x256xf32>
      %mul3A_233 = arith.mulf %add3A_232, %add3A_232 : vector<128x256xf32>
      %add3A_234 = arith.addf %add3A_216, %mul3A_233 : vector<128x256xf32>
      %get3A_235 = arith.constant 12 : index
      %get3A_236 = arith.constant 0 : index
      %get3A_237 = arith.constant 0 : index
      %get3A_238 = vector.load %arg1[%get3A_235, %get3A_236, %get3A_237] : memref<16x128x128xi32, #tpu.memory_space<vmem>>, vector<1x128x128xi32>
      %get3A_239 = vector.shape_cast %get3A_238 : vector<1x128x128xi32> to vector<128x128xi32>
      %shift_left3A_240 = arith.constant 16 : i32
      %shift_left3A_241 = vector.broadcast %shift_left3A_240 : i32 to vector<128x128xi32>
      %shift_left3A_242 = arith.shli %get3A_239, %shift_left3A_241 : vector<128x128xi32>
      %bitcast_convert_type3A_243 = tpu.bitcast %shift_left3A_242 : vector<128x128xi32> -> vector<128x128xf32>
      %and3A_244 = arith.constant -65536 : i32
      %and3A_245 = vector.broadcast %and3A_244 : i32 to vector<128x128xi32>
      %and3A_246 = arith.andi %get3A_239, %and3A_245 : vector<128x128xi32>
      %bitcast_convert_type3A_247 = tpu.bitcast %and3A_246 : vector<128x128xi32> -> vector<128x128xf32>
      %concatenate3A_248 = tpu.concatenate %bitcast_convert_type3A_243, %bitcast_convert_type3A_247 in 1 : vector<128x128xf32>, vector<128x128xf32> -> vector<128x256xf32>
      %add3A_249 = arith.addf %add3A_231, %concatenate3A_248 : vector<128x256xf32>
      %add3A_250 = arith.addf %add3A_7, %concatenate3A_248 : vector<128x256xf32>
      %mul3A_251 = arith.mulf %add3A_250, %add3A_250 : vector<128x256xf32>
      %add3A_252 = arith.addf %add3A_234, %mul3A_251 : vector<128x256xf32>
      %get3A_253 = arith.constant 13 : index
      %get3A_254 = arith.constant 0 : index
      %get3A_255 = arith.constant 0 : index
      %get3A_256 = vector.load %arg1[%get3A_253, %get3A_254, %get3A_255] : memref<16x128x128xi32, #tpu.memory_space<vmem>>, vector<1x128x128xi32>
      %get3A_257 = vector.shape_cast %get3A_256 : vector<1x128x128xi32> to vector<128x128xi32>
      %shift_left3A_258 = arith.constant 16 : i32
      %shift_left3A_259 = vector.broadcast %shift_left3A_258 : i32 to vector<128x128xi32>
      %shift_left3A_260 = arith.shli %get3A_257, %shift_left3A_259 : vector<128x128xi32>
      %bitcast_convert_type3A_261 = tpu.bitcast %shift_left3A_260 : vector<128x128xi32> -> vector<128x128xf32>
      %and3A_262 = arith.constant -65536 : i32
      %and3A_263 = vector.broadcast %and3A_262 : i32 to vector<128x128xi32>
      %and3A_264 = arith.andi %get3A_257, %and3A_263 : vector<128x128xi32>
      %bitcast_convert_type3A_265 = tpu.bitcast %and3A_264 : vector<128x128xi32> -> vector<128x128xf32>
      %concatenate3A_266 = tpu.concatenate %bitcast_convert_type3A_261, %bitcast_convert_type3A_265 in 1 : vector<128x128xf32>, vector<128x128xf32> -> vector<128x256xf32>
      %add3A_267 = arith.addf %add3A_249, %concatenate3A_266 : vector<128x256xf32>
      %add3A_268 = arith.addf %add3A_7, %concatenate3A_266 : vector<128x256xf32>
      %mul3A_269 = arith.mulf %add3A_268, %add3A_268 : vector<128x256xf32>
      %add3A_270 = arith.addf %add3A_252, %mul3A_269 : vector<128x256xf32>
      %get3A_271 = arith.constant 14 : index
      %get3A_272 = arith.constant 0 : index
      %get3A_273 = arith.constant 0 : index
      %get3A_274 = vector.load %arg1[%get3A_271, %get3A_272, %get3A_273] : memref<16x128x128xi32, #tpu.memory_space<vmem>>, vector<1x128x128xi32>
      %get3A_275 = vector.shape_cast %get3A_274 : vector<1x128x128xi32> to vector<128x128xi32>
      %shift_left3A_276 = arith.constant 16 : i32
      %shift_left3A_277 = vector.broadcast %shift_left3A_276 : i32 to vector<128x128xi32>
      %shift_left3A_278 = arith.shli %get3A_275, %shift_left3A_277 : vector<128x128xi32>
      %bitcast_convert_type3A_279 = tpu.bitcast %shift_left3A_278 : vector<128x128xi32> -> vector<128x128xf32>
      %and3A_280 = arith.constant -65536 : i32
      %and3A_281 = vector.broadcast %and3A_280 : i32 to vector<128x128xi32>
      %and3A_282 = arith.andi %get3A_275, %and3A_281 : vector<128x128xi32>
      %bitcast_convert_type3A_283 = tpu.bitcast %and3A_282 : vector<128x128xi32> -> vector<128x128xf32>
      %concatenate3A_284 = tpu.concatenate %bitcast_convert_type3A_279, %bitcast_convert_type3A_283 in 1 : vector<128x128xf32>, vector<128x128xf32> -> vector<128x256xf32>
      %add3A_285 = arith.addf %add3A_267, %concatenate3A_284 : vector<128x256xf32>
      %add3A_286 = arith.addf %add3A_7, %concatenate3A_284 : vector<128x256xf32>
      %mul3A_287 = arith.mulf %add3A_286, %add3A_286 : vector<128x256xf32>
      %add3A_288 = arith.addf %add3A_270, %mul3A_287 : vector<128x256xf32>
      %get3A_289 = arith.constant 15 : index
      %get3A_290 = arith.constant 0 : index
      %get3A_291 = arith.constant 0 : index
      %get3A_292 = vector.load %arg1[%get3A_289, %get3A_290, %get3A_291] : memref<16x128x128xi32, #tpu.memory_space<vmem>>, vector<1x128x128xi32>
      %get3A_293 = vector.shape_cast %get3A_292 : vector<1x128x128xi32> to vector<128x128xi32>
      %shift_left3A_294 = arith.constant 16 : i32
      %shift_left3A_295 = vector.broadcast %shift_left3A_294 : i32 to vector<128x128xi32>
      %shift_left3A_296 = arith.shli %get3A_293, %shift_left3A_295 : vector<128x128xi32>
      %bitcast_convert_type3A_297 = tpu.bitcast %shift_left3A_296 : vector<128x128xi32> -> vector<128x128xf32>
      %and3A_298 = arith.constant -65536 : i32
      %and3A_299 = vector.broadcast %and3A_298 : i32 to vector<128x128xi32>
      %and3A_300 = arith.andi %get3A_293, %and3A_299 : vector<128x128xi32>
      %bitcast_convert_type3A_301 = tpu.bitcast %and3A_300 : vector<128x128xi32> -> vector<128x128xf32>
      %concatenate3A_302 = tpu.concatenate %bitcast_convert_type3A_297, %bitcast_convert_type3A_301 in 1 : vector<128x128xf32>, vector<128x128xf32> -> vector<128x256xf32>
      %add3A_303 = arith.addf %add3A_285, %concatenate3A_302 : vector<128x256xf32>
      %add3A_304 = arith.addf %add3A_7, %concatenate3A_302 : vector<128x256xf32>
      %mul3A_305 = arith.mulf %add3A_304, %add3A_304 : vector<128x256xf32>
      %add3A_306 = arith.addf %add3A_288, %mul3A_305 : vector<128x256xf32>
      %get3A_307 = arith.constant 0 : index
      %get3A_308 = arith.constant 0 : index
      %get3A_309 = vector.load %arg7[%get3A_307, %get3A_308] : memref<128x256xf32, #tpu.memory_space<vmem>>, vector<128x256xf32>
      %mul3A_310 = arith.constant 1.600000e+01 : f32
      %mul3A_311 = vector.broadcast %mul3A_310 : f32 to vector<128x256xf32>
      %mul3A_312 = arith.mulf %mul3A_311, %add3A_7 : vector<128x256xf32>
      %add3A_313 = arith.addf %add3A_303, %mul3A_312 : vector<128x256xf32>
      %add3A_314 = arith.addf %get3A_309, %add3A_313 : vector<128x256xf32>
      %swap3A = arith.constant 0 : index
      %swap3A_315 = arith.constant 0 : index
      %swap3A_316 = vector.load %arg7[%swap3A, %swap3A_315] : memref<128x256xf32, #tpu.memory_space<vmem>>, vector<128x256xf32>
      tpu.vector_store %arg7[%swap3A, %swap3A_315], %add3A_314 {strides = array<i32>} : memref<128x256xf32, #tpu.memory_space<vmem>>, vector<128x256xf32>,
      %get3A_317 = arith.constant 0 : index
      %get3A_318 = arith.constant 0 : index
      %get3A_319 = vector.load %arg8[%get3A_317, %get3A_318] : memref<128x256xf32, #tpu.memory_space<vmem>>, vector<128x256xf32>
      %add3A_320 = arith.addf %get3A_319, %add3A_306 : vector<128x256xf32>
      %swap3A_321 = arith.constant 0 : index
      %swap3A_322 = arith.constant 0 : index
      %swap3A_323 = vector.load %arg8[%swap3A_321, %swap3A_322] : memref<128x256xf32, #tpu.memory_space<vmem>>, vector<128x256xf32>
      tpu.vector_store %arg8[%swap3A_321, %swap3A_322], %add3A_320 {strides = array<i32>} : memref<128x256xf32, #tpu.memory_space<vmem>>, vector<128x256xf32>,
    } else {
    }
    %eq3A_12 = arith.constant 64 : i32
    %eq3A_13 = arith.cmpi eq, %arg0, %eq3A_12 : i32
    %convert_element_type3A_14 = arith.extui %eq3A_13 : i1 to i32
    %cond3A_15 = arith.constant 0 : i32
    %cond3A_16 = arith.cmpi ne, %convert_element_type3A_14, %cond3A_15 : i32
    scf.if %cond3A_16 {
      %get3A_21 = arith.constant 0 : index
      %get3A_22 = arith.constant 0 : index
      %get3A_23 = vector.load %arg7[%get3A_21, %get3A_22] : memref<128x256xf32, #tpu.memory_space<vmem>>, vector<128x256xf32>
      %reduce_sum3A = arith.constant dense<0.000000e+00> : vector<256xf32>
      %reduce_sum3A_24 = vector.multi_reduction <add>, %get3A_23, %reduce_sum3A [0] : vector<128x256xf32> to vector<256xf32>
      %broadcast_in_dim3A = vector.shape_cast %reduce_sum3A_24 : vector<256xf32> to vector<1x256xf32>
      %mul3A = arith.constant 7.62939453E-6 : f32
      %mul3A_25 = vector.broadcast %mul3A : f32 to vector<1x256xf32>
      %mul3A_26 = arith.mulf %broadcast_in_dim3A, %mul3A_25 : vector<1x256xf32>
      %get3A_27 = arith.constant 0 : index
      %get3A_28 = arith.constant 0 : index
      %get3A_29 = vector.load %arg8[%get3A_27, %get3A_28] : memref<128x256xf32, #tpu.memory_space<vmem>>, vector<128x256xf32>
      %reduce_sum3A_30 = arith.constant dense<0.000000e+00> : vector<256xf32>
      %reduce_sum3A_31 = vector.multi_reduction <add>, %get3A_29, %reduce_sum3A_30 [0] : vector<128x256xf32> to vector<256xf32>
      %broadcast_in_dim3A_32 = vector.shape_cast %reduce_sum3A_31 : vector<256xf32> to vector<1x256xf32>
      %mul3A_33 = arith.constant 7.62939453E-6 : f32
      %mul3A_34 = vector.broadcast %mul3A_33 : f32 to vector<1x256xf32>
      %mul3A_35 = arith.mulf %broadcast_in_dim3A_32, %mul3A_34 : vector<1x256xf32>
      %mul3A_36 = arith.mulf %mul3A_26, %mul3A_26 : vector<1x256xf32>
      %sub3A = arith.subf %mul3A_35, %mul3A_36 : vector<1x256xf32>
      %get3A_37 = arith.constant 0 : index
      %get3A_38 = arith.constant 0 : index
      %get3A_39 = vector.load %arg4[%get3A_37, %get3A_38] : memref<1x256xf32, #tpu.memory_space<vmem>>, vector<1x256xf32>
      %add3A_40 = arith.constant 9.99999974E-6 : f32
      %add3A_41 = vector.broadcast %add3A_40 : f32 to vector<1x256xf32>
      %add3A_42 = arith.addf %sub3A, %add3A_41 : vector<1x256xf32>
      %rsqrt3A = math.rsqrt %add3A_42 : vector<1x256xf32>
      %mul3A_43 = arith.mulf %get3A_39, %rsqrt3A : vector<1x256xf32>
      %swap3A = arith.constant 0 : index
      %swap3A_44 = arith.constant 0 : index
      %swap3A_45 = vector.load %arg9[%swap3A, %swap3A_44] : memref<8x256xf32, #tpu.memory_space<vmem>>, vector<1x256xf32>
      tpu.vector_store %arg9[%swap3A, %swap3A_44], %mul3A_43 {strides = array<i32>} : memref<8x256xf32, #tpu.memory_space<vmem>>, vector<1x256xf32>,
      %get3A_46 = arith.constant 0 : index
      %get3A_47 = arith.constant 0 : index
      %get3A_48 = vector.load %arg5[%get3A_46, %get3A_47] : memref<1x256xf32, #tpu.memory_space<vmem>>, vector<1x256xf32>
      %mul3A_49 = arith.mulf %mul3A_26, %mul3A_43 : vector<1x256xf32>
      %sub3A_50 = arith.subf %get3A_48, %mul3A_49 : vector<1x256xf32>
      %swap3A_51 = arith.constant 1 : index
      %swap3A_52 = arith.constant 0 : index
      %swap3A_53 = vector.load %arg9[%swap3A_51, %swap3A_52] : memref<8x256xf32, #tpu.memory_space<vmem>>, vector<1x256xf32>
      tpu.vector_store %arg9[%swap3A_51, %swap3A_52], %sub3A_50 {strides = array<i32>} : memref<8x256xf32, #tpu.memory_space<vmem>>, vector<1x256xf32>,
    } else {
    }
    %ge3A = arith.constant 64 : i32
    %ge3A_17 = arith.cmpi sge, %arg0, %ge3A : i32
    %convert_element_type3A_18 = arith.extui %ge3A_17 : i1 to i32
    %cond3A_19 = arith.constant 0 : i32
    %cond3A_20 = arith.cmpi ne, %convert_element_type3A_18, %cond3A_19 : i32
    scf.if %cond3A_20 {
      %get3A_21 = arith.constant 0 : index
      %get3A_22 = arith.constant 0 : index
      %get3A_23 = vector.load %arg9[%get3A_21, %get3A_22] : memref<8x256xf32, #tpu.memory_space<vmem>>, vector<1x256xf32>
      %get3A_24 = arith.constant 1 : index
      %get3A_25 = arith.constant 0 : index
      %get3A_26 = vector.load %arg9[%get3A_24, %get3A_25] : memref<8x256xf32, #tpu.memory_space<vmem>>, vector<1x256xf32>
      %mul3A = vector.broadcast %get3A_23 : vector<1x256xf32> to vector<128x256xf32>
      %mul3A_27 = arith.mulf %add3A_7, %mul3A : vector<128x256xf32>
      %add3A_28 = vector.broadcast %get3A_26 : vector<1x256xf32> to vector<128x256xf32>
      %add3A_29 = arith.addf %mul3A_27, %add3A_28 : vector<128x256xf32>
      %broadcast_in_dim3A = arith.constant 0.000000e+00 : f32
      %broadcast_in_dim3A_30 = vector.broadcast %broadcast_in_dim3A : f32 to vector<128x256xf32>
      %get3A_31 = arith.constant 0 : index
      %get3A_32 = arith.constant 0 : index
      %get3A_33 = arith.constant 0 : index
      %get3A_34 = vector.load %arg1[%get3A_31, %get3A_32, %get3A_33] : memref<16x128x128xi32, #tpu.memory_space<vmem>>, vector<1x128x128xi32>
      %get3A_35 = vector.shape_cast %get3A_34 : vector<1x128x128xi32> to vector<128x128xi32>
      %shift_left3A = arith.constant 16 : i32
      %shift_left3A_36 = vector.broadcast %shift_left3A : i32 to vector<128x128xi32>
      %shift_left3A_37 = arith.shli %get3A_35, %shift_left3A_36 : vector<128x128xi32>
      %bitcast_convert_type3A = tpu.bitcast %shift_left3A_37 : vector<128x128xi32> -> vector<128x128xf32>
      %and3A = arith.constant -65536 : i32
      %and3A_38 = vector.broadcast %and3A : i32 to vector<128x128xi32>
      %and3A_39 = arith.andi %get3A_35, %and3A_38 : vector<128x128xi32>
      %bitcast_convert_type3A_40 = tpu.bitcast %and3A_39 : vector<128x128xi32> -> vector<128x128xf32>
      %concatenate3A = tpu.concatenate %bitcast_convert_type3A, %bitcast_convert_type3A_40 in 1 : vector<128x128xf32>, vector<128x128xf32> -> vector<128x256xf32>
      %mul3A_41 = vector.broadcast %get3A_23 : vector<1x256xf32> to vector<128x256xf32>
      %mul3A_42 = arith.mulf %concatenate3A, %mul3A_41 : vector<128x256xf32>
      %add3A_43 = arith.addf %mul3A_42, %add3A_29 : vector<128x256xf32>
      %max3A = arith.constant 0.000000e+00 : f32
      %max3A_44 = vector.broadcast %max3A : f32 to vector<128x256xf32>
      %max3A_45 = arith.maximumf %add3A_43, %max3A_44 : vector<128x256xf32>
      %add3A_46 = arith.addf %broadcast_in_dim3A_30, %max3A_45 : vector<128x256xf32>
      %get3A_47 = arith.constant 1 : index
      %get3A_48 = arith.constant 0 : index
      %get3A_49 = arith.constant 0 : index
      %get3A_50 = vector.load %arg1[%get3A_47, %get3A_48, %get3A_49] : memref<16x128x128xi32, #tpu.memory_space<vmem>>, vector<1x128x128xi32>
      %get3A_51 = vector.shape_cast %get3A_50 : vector<1x128x128xi32> to vector<128x128xi32>
      %shift_left3A_52 = arith.constant 16 : i32
      %shift_left3A_53 = vector.broadcast %shift_left3A_52 : i32 to vector<128x128xi32>
      %shift_left3A_54 = arith.shli %get3A_51, %shift_left3A_53 : vector<128x128xi32>
      %bitcast_convert_type3A_55 = tpu.bitcast %shift_left3A_54 : vector<128x128xi32> -> vector<128x128xf32>
      %and3A_56 = arith.constant -65536 : i32
      %and3A_57 = vector.broadcast %and3A_56 : i32 to vector<128x128xi32>
      %and3A_58 = arith.andi %get3A_51, %and3A_57 : vector<128x128xi32>
      %bitcast_convert_type3A_59 = tpu.bitcast %and3A_58 : vector<128x128xi32> -> vector<128x128xf32>
      %concatenate3A_60 = tpu.concatenate %bitcast_convert_type3A_55, %bitcast_convert_type3A_59 in 1 : vector<128x128xf32>, vector<128x128xf32> -> vector<128x256xf32>
      %mul3A_61 = vector.broadcast %get3A_23 : vector<1x256xf32> to vector<128x256xf32>
      %mul3A_62 = arith.mulf %concatenate3A_60, %mul3A_61 : vector<128x256xf32>
      %add3A_63 = arith.addf %mul3A_62, %add3A_29 : vector<128x256xf32>
      %max3A_64 = arith.constant 0.000000e+00 : f32
      %max3A_65 = vector.broadcast %max3A_64 : f32 to vector<128x256xf32>
      %max3A_66 = arith.maximumf %add3A_63, %max3A_65 : vector<128x256xf32>
      %add3A_67 = arith.addf %add3A_46, %max3A_66 : vector<128x256xf32>
      %get3A_68 = arith.constant 2 : index
      %get3A_69 = arith.constant 0 : index
      %get3A_70 = arith.constant 0 : index
      %get3A_71 = vector.load %arg1[%get3A_68, %get3A_69, %get3A_70] : memref<16x128x128xi32, #tpu.memory_space<vmem>>, vector<1x128x128xi32>
      %get3A_72 = vector.shape_cast %get3A_71 : vector<1x128x128xi32> to vector<128x128xi32>
      %shift_left3A_73 = arith.constant 16 : i32
      %shift_left3A_74 = vector.broadcast %shift_left3A_73 : i32 to vector<128x128xi32>
      %shift_left3A_75 = arith.shli %get3A_72, %shift_left3A_74 : vector<128x128xi32>
      %bitcast_convert_type3A_76 = tpu.bitcast %shift_left3A_75 : vector<128x128xi32> -> vector<128x128xf32>
      %and3A_77 = arith.constant -65536 : i32
      %and3A_78 = vector.broadcast %and3A_77 : i32 to vector<128x128xi32>
      %and3A_79 = arith.andi %get3A_72, %and3A_78 : vector<128x128xi32>
      %bitcast_convert_type3A_80 = tpu.bitcast %and3A_79 : vector<128x128xi32> -> vector<128x128xf32>
      %concatenate3A_81 = tpu.concatenate %bitcast_convert_type3A_76, %bitcast_convert_type3A_80 in 1 : vector<128x128xf32>, vector<128x128xf32> -> vector<128x256xf32>
      %mul3A_82 = vector.broadcast %get3A_23 : vector<1x256xf32> to vector<128x256xf32>
      %mul3A_83 = arith.mulf %concatenate3A_81, %mul3A_82 : vector<128x256xf32>
      %add3A_84 = arith.addf %mul3A_83, %add3A_29 : vector<128x256xf32>
      %max3A_85 = arith.constant 0.000000e+00 : f32
      %max3A_86 = vector.broadcast %max3A_85 : f32 to vector<128x256xf32>
      %max3A_87 = arith.maximumf %add3A_84, %max3A_86 : vector<128x256xf32>
      %add3A_88 = arith.addf %add3A_67, %max3A_87 : vector<128x256xf32>
      %get3A_89 = arith.constant 3 : index
      %get3A_90 = arith.constant 0 : index
      %get3A_91 = arith.constant 0 : index
      %get3A_92 = vector.load %arg1[%get3A_89, %get3A_90, %get3A_91] : memref<16x128x128xi32, #tpu.memory_space<vmem>>, vector<1x128x128xi32>
      %get3A_93 = vector.shape_cast %get3A_92 : vector<1x128x128xi32> to vector<128x128xi32>
      %shift_left3A_94 = arith.constant 16 : i32
      %shift_left3A_95 = vector.broadcast %shift_left3A_94 : i32 to vector<128x128xi32>
      %shift_left3A_96 = arith.shli %get3A_93, %shift_left3A_95 : vector<128x128xi32>
      %bitcast_convert_type3A_97 = tpu.bitcast %shift_left3A_96 : vector<128x128xi32> -> vector<128x128xf32>
      %and3A_98 = arith.constant -65536 : i32
      %and3A_99 = vector.broadcast %and3A_98 : i32 to vector<128x128xi32>
      %and3A_100 = arith.andi %get3A_93, %and3A_99 : vector<128x128xi32>
      %bitcast_convert_type3A_101 = tpu.bitcast %and3A_100 : vector<128x128xi32> -> vector<128x128xf32>
      %concatenate3A_102 = tpu.concatenate %bitcast_convert_type3A_97, %bitcast_convert_type3A_101 in 1 : vector<128x128xf32>, vector<128x128xf32> -> vector<128x256xf32>
      %mul3A_103 = vector.broadcast %get3A_23 : vector<1x256xf32> to vector<128x256xf32>
      %mul3A_104 = arith.mulf %concatenate3A_102, %mul3A_103 : vector<128x256xf32>
      %add3A_105 = arith.addf %mul3A_104, %add3A_29 : vector<128x256xf32>
      %max3A_106 = arith.constant 0.000000e+00 : f32
      %max3A_107 = vector.broadcast %max3A_106 : f32 to vector<128x256xf32>
      %max3A_108 = arith.maximumf %add3A_105, %max3A_107 : vector<128x256xf32>
      %add3A_109 = arith.addf %add3A_88, %max3A_108 : vector<128x256xf32>
      %get3A_110 = arith.constant 4 : index
      %get3A_111 = arith.constant 0 : index
      %get3A_112 = arith.constant 0 : index
      %get3A_113 = vector.load %arg1[%get3A_110, %get3A_111, %get3A_112] : memref<16x128x128xi32, #tpu.memory_space<vmem>>, vector<1x128x128xi32>
      %get3A_114 = vector.shape_cast %get3A_113 : vector<1x128x128xi32> to vector<128x128xi32>
      %shift_left3A_115 = arith.constant 16 : i32
      %shift_left3A_116 = vector.broadcast %shift_left3A_115 : i32 to vector<128x128xi32>
      %shift_left3A_117 = arith.shli %get3A_114, %shift_left3A_116 : vector<128x128xi32>
      %bitcast_convert_type3A_118 = tpu.bitcast %shift_left3A_117 : vector<128x128xi32> -> vector<128x128xf32>
      %and3A_119 = arith.constant -65536 : i32
      %and3A_120 = vector.broadcast %and3A_119 : i32 to vector<128x128xi32>
      %and3A_121 = arith.andi %get3A_114, %and3A_120 : vector<128x128xi32>
      %bitcast_convert_type3A_122 = tpu.bitcast %and3A_121 : vector<128x128xi32> -> vector<128x128xf32>
      %concatenate3A_123 = tpu.concatenate %bitcast_convert_type3A_118, %bitcast_convert_type3A_122 in 1 : vector<128x128xf32>, vector<128x128xf32> -> vector<128x256xf32>
      %mul3A_124 = vector.broadcast %get3A_23 : vector<1x256xf32> to vector<128x256xf32>
      %mul3A_125 = arith.mulf %concatenate3A_123, %mul3A_124 : vector<128x256xf32>
      %add3A_126 = arith.addf %mul3A_125, %add3A_29 : vector<128x256xf32>
      %max3A_127 = arith.constant 0.000000e+00 : f32
      %max3A_128 = vector.broadcast %max3A_127 : f32 to vector<128x256xf32>
      %max3A_129 = arith.maximumf %add3A_126, %max3A_128 : vector<128x256xf32>
      %add3A_130 = arith.addf %add3A_109, %max3A_129 : vector<128x256xf32>
      %get3A_131 = arith.constant 5 : index
      %get3A_132 = arith.constant 0 : index
      %get3A_133 = arith.constant 0 : index
      %get3A_134 = vector.load %arg1[%get3A_131, %get3A_132, %get3A_133] : memref<16x128x128xi32, #tpu.memory_space<vmem>>, vector<1x128x128xi32>
      %get3A_135 = vector.shape_cast %get3A_134 : vector<1x128x128xi32> to vector<128x128xi32>
      %shift_left3A_136 = arith.constant 16 : i32
      %shift_left3A_137 = vector.broadcast %shift_left3A_136 : i32 to vector<128x128xi32>
      %shift_left3A_138 = arith.shli %get3A_135, %shift_left3A_137 : vector<128x128xi32>
      %bitcast_convert_type3A_139 = tpu.bitcast %shift_left3A_138 : vector<128x128xi32> -> vector<128x128xf32>
      %and3A_140 = arith.constant -65536 : i32
      %and3A_141 = vector.broadcast %and3A_140 : i32 to vector<128x128xi32>
      %and3A_142 = arith.andi %get3A_135, %and3A_141 : vector<128x128xi32>
      %bitcast_convert_type3A_143 = tpu.bitcast %and3A_142 : vector<128x128xi32> -> vector<128x128xf32>
      %concatenate3A_144 = tpu.concatenate %bitcast_convert_type3A_139, %bitcast_convert_type3A_143 in 1 : vector<128x128xf32>, vector<128x128xf32> -> vector<128x256xf32>
      %mul3A_145 = vector.broadcast %get3A_23 : vector<1x256xf32> to vector<128x256xf32>
      %mul3A_146 = arith.mulf %concatenate3A_144, %mul3A_145 : vector<128x256xf32>
      %add3A_147 = arith.addf %mul3A_146, %add3A_29 : vector<128x256xf32>
      %max3A_148 = arith.constant 0.000000e+00 : f32
      %max3A_149 = vector.broadcast %max3A_148 : f32 to vector<128x256xf32>
      %max3A_150 = arith.maximumf %add3A_147, %max3A_149 : vector<128x256xf32>
      %add3A_151 = arith.addf %add3A_130, %max3A_150 : vector<128x256xf32>
      %get3A_152 = arith.constant 6 : index
      %get3A_153 = arith.constant 0 : index
      %get3A_154 = arith.constant 0 : index
      %get3A_155 = vector.load %arg1[%get3A_152, %get3A_153, %get3A_154] : memref<16x128x128xi32, #tpu.memory_space<vmem>>, vector<1x128x128xi32>
      %get3A_156 = vector.shape_cast %get3A_155 : vector<1x128x128xi32> to vector<128x128xi32>
      %shift_left3A_157 = arith.constant 16 : i32
      %shift_left3A_158 = vector.broadcast %shift_left3A_157 : i32 to vector<128x128xi32>
      %shift_left3A_159 = arith.shli %get3A_156, %shift_left3A_158 : vector<128x128xi32>
      %bitcast_convert_type3A_160 = tpu.bitcast %shift_left3A_159 : vector<128x128xi32> -> vector<128x128xf32>
      %and3A_161 = arith.constant -65536 : i32
      %and3A_162 = vector.broadcast %and3A_161 : i32 to vector<128x128xi32>
      %and3A_163 = arith.andi %get3A_156, %and3A_162 : vector<128x128xi32>
      %bitcast_convert_type3A_164 = tpu.bitcast %and3A_163 : vector<128x128xi32> -> vector<128x128xf32>
      %concatenate3A_165 = tpu.concatenate %bitcast_convert_type3A_160, %bitcast_convert_type3A_164 in 1 : vector<128x128xf32>, vector<128x128xf32> -> vector<128x256xf32>
      %mul3A_166 = vector.broadcast %get3A_23 : vector<1x256xf32> to vector<128x256xf32>
      %mul3A_167 = arith.mulf %concatenate3A_165, %mul3A_166 : vector<128x256xf32>
      %add3A_168 = arith.addf %mul3A_167, %add3A_29 : vector<128x256xf32>
      %max3A_169 = arith.constant 0.000000e+00 : f32
      %max3A_170 = vector.broadcast %max3A_169 : f32 to vector<128x256xf32>
      %max3A_171 = arith.maximumf %add3A_168, %max3A_170 : vector<128x256xf32>
      %add3A_172 = arith.addf %add3A_151, %max3A_171 : vector<128x256xf32>
      %get3A_173 = arith.constant 7 : index
      %get3A_174 = arith.constant 0 : index
      %get3A_175 = arith.constant 0 : index
      %get3A_176 = vector.load %arg1[%get3A_173, %get3A_174, %get3A_175] : memref<16x128x128xi32, #tpu.memory_space<vmem>>, vector<1x128x128xi32>
      %get3A_177 = vector.shape_cast %get3A_176 : vector<1x128x128xi32> to vector<128x128xi32>
      %shift_left3A_178 = arith.constant 16 : i32
      %shift_left3A_179 = vector.broadcast %shift_left3A_178 : i32 to vector<128x128xi32>
      %shift_left3A_180 = arith.shli %get3A_177, %shift_left3A_179 : vector<128x128xi32>
      %bitcast_convert_type3A_181 = tpu.bitcast %shift_left3A_180 : vector<128x128xi32> -> vector<128x128xf32>
      %and3A_182 = arith.constant -65536 : i32
      %and3A_183 = vector.broadcast %and3A_182 : i32 to vector<128x128xi32>
      %and3A_184 = arith.andi %get3A_177, %and3A_183 : vector<128x128xi32>
      %bitcast_convert_type3A_185 = tpu.bitcast %and3A_184 : vector<128x128xi32> -> vector<128x128xf32>
      %concatenate3A_186 = tpu.concatenate %bitcast_convert_type3A_181, %bitcast_convert_type3A_185 in 1 : vector<128x128xf32>, vector<128x128xf32> -> vector<128x256xf32>
      %mul3A_187 = vector.broadcast %get3A_23 : vector<1x256xf32> to vector<128x256xf32>
      %mul3A_188 = arith.mulf %concatenate3A_186, %mul3A_187 : vector<128x256xf32>
      %add3A_189 = arith.addf %mul3A_188, %add3A_29 : vector<128x256xf32>
      %max3A_190 = arith.constant 0.000000e+00 : f32
      %max3A_191 = vector.broadcast %max3A_190 : f32 to vector<128x256xf32>
      %max3A_192 = arith.maximumf %add3A_189, %max3A_191 : vector<128x256xf32>
      %add3A_193 = arith.addf %add3A_172, %max3A_192 : vector<128x256xf32>
      %get3A_194 = arith.constant 8 : index
      %get3A_195 = arith.constant 0 : index
      %get3A_196 = arith.constant 0 : index
      %get3A_197 = vector.load %arg1[%get3A_194, %get3A_195, %get3A_196] : memref<16x128x128xi32, #tpu.memory_space<vmem>>, vector<1x128x128xi32>
      %get3A_198 = vector.shape_cast %get3A_197 : vector<1x128x128xi32> to vector<128x128xi32>
      %shift_left3A_199 = arith.constant 16 : i32
      %shift_left3A_200 = vector.broadcast %shift_left3A_199 : i32 to vector<128x128xi32>
      %shift_left3A_201 = arith.shli %get3A_198, %shift_left3A_200 : vector<128x128xi32>
      %bitcast_convert_type3A_202 = tpu.bitcast %shift_left3A_201 : vector<128x128xi32> -> vector<128x128xf32>
      %and3A_203 = arith.constant -65536 : i32
      %and3A_204 = vector.broadcast %and3A_203 : i32 to vector<128x128xi32>
      %and3A_205 = arith.andi %get3A_198, %and3A_204 : vector<128x128xi32>
      %bitcast_convert_type3A_206 = tpu.bitcast %and3A_205 : vector<128x128xi32> -> vector<128x128xf32>
      %concatenate3A_207 = tpu.concatenate %bitcast_convert_type3A_202, %bitcast_convert_type3A_206 in 1 : vector<128x128xf32>, vector<128x128xf32> -> vector<128x256xf32>
      %mul3A_208 = vector.broadcast %get3A_23 : vector<1x256xf32> to vector<128x256xf32>
      %mul3A_209 = arith.mulf %concatenate3A_207, %mul3A_208 : vector<128x256xf32>
      %add3A_210 = arith.addf %mul3A_209, %add3A_29 : vector<128x256xf32>
      %max3A_211 = arith.constant 0.000000e+00 : f32
      %max3A_212 = vector.broadcast %max3A_211 : f32 to vector<128x256xf32>
      %max3A_213 = arith.maximumf %add3A_210, %max3A_212 : vector<128x256xf32>
      %add3A_214 = arith.addf %add3A_193, %max3A_213 : vector<128x256xf32>
      %get3A_215 = arith.constant 9 : index
      %get3A_216 = arith.constant 0 : index
      %get3A_217 = arith.constant 0 : index
      %get3A_218 = vector.load %arg1[%get3A_215, %get3A_216, %get3A_217] : memref<16x128x128xi32, #tpu.memory_space<vmem>>, vector<1x128x128xi32>
      %get3A_219 = vector.shape_cast %get3A_218 : vector<1x128x128xi32> to vector<128x128xi32>
      %shift_left3A_220 = arith.constant 16 : i32
      %shift_left3A_221 = vector.broadcast %shift_left3A_220 : i32 to vector<128x128xi32>
      %shift_left3A_222 = arith.shli %get3A_219, %shift_left3A_221 : vector<128x128xi32>
      %bitcast_convert_type3A_223 = tpu.bitcast %shift_left3A_222 : vector<128x128xi32> -> vector<128x128xf32>
      %and3A_224 = arith.constant -65536 : i32
      %and3A_225 = vector.broadcast %and3A_224 : i32 to vector<128x128xi32>
      %and3A_226 = arith.andi %get3A_219, %and3A_225 : vector<128x128xi32>
      %bitcast_convert_type3A_227 = tpu.bitcast %and3A_226 : vector<128x128xi32> -> vector<128x128xf32>
      %concatenate3A_228 = tpu.concatenate %bitcast_convert_type3A_223, %bitcast_convert_type3A_227 in 1 : vector<128x128xf32>, vector<128x128xf32> -> vector<128x256xf32>
      %mul3A_229 = vector.broadcast %get3A_23 : vector<1x256xf32> to vector<128x256xf32>
      %mul3A_230 = arith.mulf %concatenate3A_228, %mul3A_229 : vector<128x256xf32>
      %add3A_231 = arith.addf %mul3A_230, %add3A_29 : vector<128x256xf32>
      %max3A_232 = arith.constant 0.000000e+00 : f32
      %max3A_233 = vector.broadcast %max3A_232 : f32 to vector<128x256xf32>
      %max3A_234 = arith.maximumf %add3A_231, %max3A_233 : vector<128x256xf32>
      %add3A_235 = arith.addf %add3A_214, %max3A_234 : vector<128x256xf32>
      %get3A_236 = arith.constant 10 : index
      %get3A_237 = arith.constant 0 : index
      %get3A_238 = arith.constant 0 : index
      %get3A_239 = vector.load %arg1[%get3A_236, %get3A_237, %get3A_238] : memref<16x128x128xi32, #tpu.memory_space<vmem>>, vector<1x128x128xi32>
      %get3A_240 = vector.shape_cast %get3A_239 : vector<1x128x128xi32> to vector<128x128xi32>
      %shift_left3A_241 = arith.constant 16 : i32
      %shift_left3A_242 = vector.broadcast %shift_left3A_241 : i32 to vector<128x128xi32>
      %shift_left3A_243 = arith.shli %get3A_240, %shift_left3A_242 : vector<128x128xi32>
      %bitcast_convert_type3A_244 = tpu.bitcast %shift_left3A_243 : vector<128x128xi32> -> vector<128x128xf32>
      %and3A_245 = arith.constant -65536 : i32
      %and3A_246 = vector.broadcast %and3A_245 : i32 to vector<128x128xi32>
      %and3A_247 = arith.andi %get3A_240, %and3A_246 : vector<128x128xi32>
      %bitcast_convert_type3A_248 = tpu.bitcast %and3A_247 : vector<128x128xi32> -> vector<128x128xf32>
      %concatenate3A_249 = tpu.concatenate %bitcast_convert_type3A_244, %bitcast_convert_type3A_248 in 1 : vector<128x128xf32>, vector<128x128xf32> -> vector<128x256xf32>
      %mul3A_250 = vector.broadcast %get3A_23 : vector<1x256xf32> to vector<128x256xf32>
      %mul3A_251 = arith.mulf %concatenate3A_249, %mul3A_250 : vector<128x256xf32>
      %add3A_252 = arith.addf %mul3A_251, %add3A_29 : vector<128x256xf32>
      %max3A_253 = arith.constant 0.000000e+00 : f32
      %max3A_254 = vector.broadcast %max3A_253 : f32 to vector<128x256xf32>
      %max3A_255 = arith.maximumf %add3A_252, %max3A_254 : vector<128x256xf32>
      %add3A_256 = arith.addf %add3A_235, %max3A_255 : vector<128x256xf32>
      %get3A_257 = arith.constant 11 : index
      %get3A_258 = arith.constant 0 : index
      %get3A_259 = arith.constant 0 : index
      %get3A_260 = vector.load %arg1[%get3A_257, %get3A_258, %get3A_259] : memref<16x128x128xi32, #tpu.memory_space<vmem>>, vector<1x128x128xi32>
      %get3A_261 = vector.shape_cast %get3A_260 : vector<1x128x128xi32> to vector<128x128xi32>
      %shift_left3A_262 = arith.constant 16 : i32
      %shift_left3A_263 = vector.broadcast %shift_left3A_262 : i32 to vector<128x128xi32>
      %shift_left3A_264 = arith.shli %get3A_261, %shift_left3A_263 : vector<128x128xi32>
      %bitcast_convert_type3A_265 = tpu.bitcast %shift_left3A_264 : vector<128x128xi32> -> vector<128x128xf32>
      %and3A_266 = arith.constant -65536 : i32
      %and3A_267 = vector.broadcast %and3A_266 : i32 to vector<128x128xi32>
      %and3A_268 = arith.andi %get3A_261, %and3A_267 : vector<128x128xi32>
      %bitcast_convert_type3A_269 = tpu.bitcast %and3A_268 : vector<128x128xi32> -> vector<128x128xf32>
      %concatenate3A_270 = tpu.concatenate %bitcast_convert_type3A_265, %bitcast_convert_type3A_269 in 1 : vector<128x128xf32>, vector<128x128xf32> -> vector<128x256xf32>
      %mul3A_271 = vector.broadcast %get3A_23 : vector<1x256xf32> to vector<128x256xf32>
      %mul3A_272 = arith.mulf %concatenate3A_270, %mul3A_271 : vector<128x256xf32>
      %add3A_273 = arith.addf %mul3A_272, %add3A_29 : vector<128x256xf32>
      %max3A_274 = arith.constant 0.000000e+00 : f32
      %max3A_275 = vector.broadcast %max3A_274 : f32 to vector<128x256xf32>
      %max3A_276 = arith.maximumf %add3A_273, %max3A_275 : vector<128x256xf32>
      %add3A_277 = arith.addf %add3A_256, %max3A_276 : vector<128x256xf32>
      %get3A_278 = arith.constant 12 : index
      %get3A_279 = arith.constant 0 : index
      %get3A_280 = arith.constant 0 : index
      %get3A_281 = vector.load %arg1[%get3A_278, %get3A_279, %get3A_280] : memref<16x128x128xi32, #tpu.memory_space<vmem>>, vector<1x128x128xi32>
      %get3A_282 = vector.shape_cast %get3A_281 : vector<1x128x128xi32> to vector<128x128xi32>
      %shift_left3A_283 = arith.constant 16 : i32
      %shift_left3A_284 = vector.broadcast %shift_left3A_283 : i32 to vector<128x128xi32>
      %shift_left3A_285 = arith.shli %get3A_282, %shift_left3A_284 : vector<128x128xi32>
      %bitcast_convert_type3A_286 = tpu.bitcast %shift_left3A_285 : vector<128x128xi32> -> vector<128x128xf32>
      %and3A_287 = arith.constant -65536 : i32
      %and3A_288 = vector.broadcast %and3A_287 : i32 to vector<128x128xi32>
      %and3A_289 = arith.andi %get3A_282, %and3A_288 : vector<128x128xi32>
      %bitcast_convert_type3A_290 = tpu.bitcast %and3A_289 : vector<128x128xi32> -> vector<128x128xf32>
      %concatenate3A_291 = tpu.concatenate %bitcast_convert_type3A_286, %bitcast_convert_type3A_290 in 1 : vector<128x128xf32>, vector<128x128xf32> -> vector<128x256xf32>
      %mul3A_292 = vector.broadcast %get3A_23 : vector<1x256xf32> to vector<128x256xf32>
      %mul3A_293 = arith.mulf %concatenate3A_291, %mul3A_292 : vector<128x256xf32>
      %add3A_294 = arith.addf %mul3A_293, %add3A_29 : vector<128x256xf32>
      %max3A_295 = arith.constant 0.000000e+00 : f32
      %max3A_296 = vector.broadcast %max3A_295 : f32 to vector<128x256xf32>
      %max3A_297 = arith.maximumf %add3A_294, %max3A_296 : vector<128x256xf32>
      %add3A_298 = arith.addf %add3A_277, %max3A_297 : vector<128x256xf32>
      %get3A_299 = arith.constant 13 : index
      %get3A_300 = arith.constant 0 : index
      %get3A_301 = arith.constant 0 : index
      %get3A_302 = vector.load %arg1[%get3A_299, %get3A_300, %get3A_301] : memref<16x128x128xi32, #tpu.memory_space<vmem>>, vector<1x128x128xi32>
      %get3A_303 = vector.shape_cast %get3A_302 : vector<1x128x128xi32> to vector<128x128xi32>
      %shift_left3A_304 = arith.constant 16 : i32
      %shift_left3A_305 = vector.broadcast %shift_left3A_304 : i32 to vector<128x128xi32>
      %shift_left3A_306 = arith.shli %get3A_303, %shift_left3A_305 : vector<128x128xi32>
      %bitcast_convert_type3A_307 = tpu.bitcast %shift_left3A_306 : vector<128x128xi32> -> vector<128x128xf32>
      %and3A_308 = arith.constant -65536 : i32
      %and3A_309 = vector.broadcast %and3A_308 : i32 to vector<128x128xi32>
      %and3A_310 = arith.andi %get3A_303, %and3A_309 : vector<128x128xi32>
      %bitcast_convert_type3A_311 = tpu.bitcast %and3A_310 : vector<128x128xi32> -> vector<128x128xf32>
      %concatenate3A_312 = tpu.concatenate %bitcast_convert_type3A_307, %bitcast_convert_type3A_311 in 1 : vector<128x128xf32>, vector<128x128xf32> -> vector<128x256xf32>
      %mul3A_313 = vector.broadcast %get3A_23 : vector<1x256xf32> to vector<128x256xf32>
      %mul3A_314 = arith.mulf %concatenate3A_312, %mul3A_313 : vector<128x256xf32>
      %add3A_315 = arith.addf %mul3A_314, %add3A_29 : vector<128x256xf32>
      %max3A_316 = arith.constant 0.000000e+00 : f32
      %max3A_317 = vector.broadcast %max3A_316 : f32 to vector<128x256xf32>
      %max3A_318 = arith.maximumf %add3A_315, %max3A_317 : vector<128x256xf32>
      %add3A_319 = arith.addf %add3A_298, %max3A_318 : vector<128x256xf32>
      %get3A_320 = arith.constant 14 : index
      %get3A_321 = arith.constant 0 : index
      %get3A_322 = arith.constant 0 : index
      %get3A_323 = vector.load %arg1[%get3A_320, %get3A_321, %get3A_322] : memref<16x128x128xi32, #tpu.memory_space<vmem>>, vector<1x128x128xi32>
      %get3A_324 = vector.shape_cast %get3A_323 : vector<1x128x128xi32> to vector<128x128xi32>
      %shift_left3A_325 = arith.constant 16 : i32
      %shift_left3A_326 = vector.broadcast %shift_left3A_325 : i32 to vector<128x128xi32>
      %shift_left3A_327 = arith.shli %get3A_324, %shift_left3A_326 : vector<128x128xi32>
      %bitcast_convert_type3A_328 = tpu.bitcast %shift_left3A_327 : vector<128x128xi32> -> vector<128x128xf32>
      %and3A_329 = arith.constant -65536 : i32
      %and3A_330 = vector.broadcast %and3A_329 : i32 to vector<128x128xi32>
      %and3A_331 = arith.andi %get3A_324, %and3A_330 : vector<128x128xi32>
      %bitcast_convert_type3A_332 = tpu.bitcast %and3A_331 : vector<128x128xi32> -> vector<128x128xf32>
      %concatenate3A_333 = tpu.concatenate %bitcast_convert_type3A_328, %bitcast_convert_type3A_332 in 1 : vector<128x128xf32>, vector<128x128xf32> -> vector<128x256xf32>
      %mul3A_334 = vector.broadcast %get3A_23 : vector<1x256xf32> to vector<128x256xf32>
      %mul3A_335 = arith.mulf %concatenate3A_333, %mul3A_334 : vector<128x256xf32>
      %add3A_336 = arith.addf %mul3A_335, %add3A_29 : vector<128x256xf32>
      %max3A_337 = arith.constant 0.000000e+00 : f32
      %max3A_338 = vector.broadcast %max3A_337 : f32 to vector<128x256xf32>
      %max3A_339 = arith.maximumf %add3A_336, %max3A_338 : vector<128x256xf32>
      %add3A_340 = arith.addf %add3A_319, %max3A_339 : vector<128x256xf32>
      %get3A_341 = arith.constant 15 : index
      %get3A_342 = arith.constant 0 : index
      %get3A_343 = arith.constant 0 : index
      %get3A_344 = vector.load %arg1[%get3A_341, %get3A_342, %get3A_343] : memref<16x128x128xi32, #tpu.memory_space<vmem>>, vector<1x128x128xi32>
      %get3A_345 = vector.shape_cast %get3A_344 : vector<1x128x128xi32> to vector<128x128xi32>
      %shift_left3A_346 = arith.constant 16 : i32
      %shift_left3A_347 = vector.broadcast %shift_left3A_346 : i32 to vector<128x128xi32>
      %shift_left3A_348 = arith.shli %get3A_345, %shift_left3A_347 : vector<128x128xi32>
      %bitcast_convert_type3A_349 = tpu.bitcast %shift_left3A_348 : vector<128x128xi32> -> vector<128x128xf32>
      %and3A_350 = arith.constant -65536 : i32
      %and3A_351 = vector.broadcast %and3A_350 : i32 to vector<128x128xi32>
      %and3A_352 = arith.andi %get3A_345, %and3A_351 : vector<128x128xi32>
      %bitcast_convert_type3A_353 = tpu.bitcast %and3A_352 : vector<128x128xi32> -> vector<128x128xf32>
      %concatenate3A_354 = tpu.concatenate %bitcast_convert_type3A_349, %bitcast_convert_type3A_353 in 1 : vector<128x128xf32>, vector<128x128xf32> -> vector<128x256xf32>
      %mul3A_355 = vector.broadcast %get3A_23 : vector<1x256xf32> to vector<128x256xf32>
      %mul3A_356 = arith.mulf %concatenate3A_354, %mul3A_355 : vector<128x256xf32>
      %add3A_357 = arith.addf %mul3A_356, %add3A_29 : vector<128x256xf32>
      %max3A_358 = arith.constant 0.000000e+00 : f32
      %max3A_359 = vector.broadcast %max3A_358 : f32 to vector<128x256xf32>
      %max3A_360 = arith.maximumf %add3A_357, %max3A_359 : vector<128x256xf32>
      %add3A_361 = arith.addf %add3A_340, %max3A_360 : vector<128x256xf32>
      %mul3A_362 = arith.constant 6.250000e-02 : f32
      %mul3A_363 = vector.broadcast %mul3A_362 : f32 to vector<128x256xf32>
      %mul3A_364 = arith.mulf %add3A_361, %mul3A_363 : vector<128x256xf32>
      %swap3A = arith.constant 0 : index
      %swap3A_365 = arith.constant 0 : index
      %swap3A_366 = vector.load %arg6[%swap3A, %swap3A_365] : memref<128x256xf32, #tpu.memory_space<vmem>>, vector<128x256xf32>
      tpu.vector_store %arg6[%swap3A, %swap3A_365], %mul3A_364 {strides = array<i32>} : memref<128x256xf32, #tpu.memory_space<vmem>>, vector<128x256xf32>,
    } else {
    }
    return
  }
  func.func @transform_0(%arg0: i32) -> (i32, i32, i32) {
    %jit3A = arith.constant 64 : i32
    %eq3A = arith.constant 0 : i32
    %eq3A_0 = arith.cmpi eq, %jit3A, %eq3A : i32
    %jit3A_1 = arith.constant 1 : i32
    %select_n3A = arith.select %eq3A_0, %jit3A_1, %jit3A : i32
    %rem3A = arith.remsi %arg0, %select_n3A : i32
    %ne3A = arith.constant 0 : i32
    %ne3A_2 = arith.cmpi ne, %rem3A, %ne3A : i32
    %lt3A = arith.constant 0 : i32
    %lt3A_3 = arith.cmpi slt, %rem3A, %lt3A : i32
    %lt3A_4 = arith.constant 0 : i32
    %lt3A_5 = arith.cmpi slt, %select_n3A, %lt3A_4 : i32
    %ne3A_6 = arith.xori %lt3A_3, %lt3A_5 : i1
    %and3A = arith.andi %ne3A_6, %ne3A_2 : i1
    %add3A = arith.addi %rem3A, %select_n3A : i32
    %select_n3A_7 = arith.select %and3A, %add3A, %rem3A : i32
    %c0_i32 = arith.constant 0 : i32
    %c0_i32_8 = arith.constant 0 : i32
    %c0_i32_9 = arith.constant 0 : i32
    return %c0_i32, %select_n3A_7, %c0_i32_8 : i32, i32, i32
  }
  func.func @transform_1(%arg0: i32) -> (i32, i32) {
    %jit3A = arith.constant 64 : i32
    %eq3A = arith.constant 0 : i32
    %eq3A_0 = arith.cmpi eq, %jit3A, %eq3A : i32
    %jit3A_1 = arith.constant 1 : i32
    %select_n3A = arith.select %eq3A_0, %jit3A_1, %jit3A : i32
    %rem3A = arith.remsi %arg0, %select_n3A : i32
    %ne3A = arith.constant 0 : i32
    %ne3A_2 = arith.cmpi ne, %rem3A, %ne3A : i32
    %lt3A = arith.constant 0 : i32
    %lt3A_3 = arith.cmpi slt, %rem3A, %lt3A : i32
    %lt3A_4 = arith.constant 0 : i32
    %lt3A_5 = arith.cmpi slt, %select_n3A, %lt3A_4 : i32
    %ne3A_6 = arith.xori %lt3A_3, %lt3A_5 : i1
    %and3A = arith.andi %ne3A_6, %ne3A_2 : i1
    %add3A = arith.addi %rem3A, %select_n3A : i32
    %select_n3A_7 = arith.select %and3A, %add3A, %rem3A : i32
    %c0_i32 = arith.constant 0 : i32
    %c0_i32_8 = arith.constant 0 : i32
    return %select_n3A_7, %c0_i32 : i32, i32
  }
  func.func @transform_2(%arg0: i32) -> (i32, i32) {
    %c0_i32 = arith.constant 0 : i32
    %c0_i32_0 = arith.constant 0 : i32
    %c0_i32_1 = arith.constant 0 : i32
    return %c0_i32, %c0_i32_0 : i32, i32
  }
  func.func @transform_3(%arg0: i32) -> (i32, i32) {
    %c0_i32 = arith.constant 0 : i32
    %c0_i32_0 = arith.constant 0 : i32
    %c0_i32_1 = arith.constant 0 : i32
    return %c0_i32, %c0_i32_0 : i32, i32
  }
  func.func @transform_4(%arg0: i32) -> (i32, i32) {
    %c0_i32 = arith.constant 0 : i32
    %c0_i32_0 = arith.constant 0 : i32
    %c0_i32_1 = arith.constant 0 : i32
    return %c0_i32, %c0_i32_0 : i32, i32
  }
  func.func @transform_5(%arg0: i32) -> (i32, i32) {
    %sub3A = arith.constant 64 : i32
    %sub3A_0 = arith.subi %arg0, %sub3A : i32
    %max3A = arith.constant 0 : i32
    %max3A_1 = arith.maxsi %sub3A_0, %max3A : i32
    %c0_i32 = arith.constant 0 : i32
    %c0_i32_2 = arith.constant 0 : i32
    return %max3A_1, %c0_i32 : i32, i32
  }
}

</mosaic_0001>

<sc_bundles>
// kernel: kernel.6.cloned.1.call-start
scs
__scs_entry_jumppad:
0x0: {  	(pc) =	sbr.rel $0x88, $3  }
0x1: {  	(tag) =	ssettag $0x0;
	lr =	simm.s32 $0x1  }
0x2: {  	[smem:$0x3F9B] =	sst lr;
	_ =	strace $0xD0000000  }
0x3: {  	_ = 	snop  }
0x4: {  	_ = 	snop  }
0x5: {  	_ = 	snop  }
0x6: {  	_ = 	snop  }
0x7: {  	_ = 	snop  }
__scs_overlays_trampoline_lowered:
0x8: {  	[smem:$0x3FAA] =	sst s0  }
0x9: {  	[smem:$0x3FAB] =	sst s1  }
0xa: {  	[smem:$0x3FAC] =	sst s2  }
0xb: {  	[smem:$0x3FAD] =	sst s3  }
0xc: {  	[smem:$0x3FAE] =	sst s4  }
0xd: {  	[smem:$0x3FAF] =	sst s5  }
0xe: {  	[smem:$0x3FB0] =	sst s6  }
0xf: {  	[smem:$0x3FB1] =	sst s7  }
0x10: {  	[smem:$0x3FB2] =	sst s8  }
0x11: {  	[smem:$0x3FB3] =	sst s9;
	s0 =	simm.s32 @!p0 $0x0  }
0x12: {  	s1 =	sld [smem:$0x3F99];
	s0 =	simm.s32 @p0 $0x1  }
0x13: {  	[smem:$0x3FB4] =	sst s0;
	s0 =	simm.s32 @!p1 $0x0  }
0x14: {  	s2 =	sld [smem:$0x3F98];
	s0 =	simm.s32 @p1 $0x1  }
0x15: {  	[smem:$0x3FB5] =	sst s0;
	s0 =	simm.s32 @!p2 $0x0  }
0x16: {  	s3 =	sld [smem:$0x3FDB];
	s0 =	simm.s32 @p2 $0x1  }
0x17: {  	s4 =	simm.s32 $0x1BF5;
	[smem:$0x3FB7] =	sst s0  }
0x18: {  	s0 =	sld [smem:$0x3F9A];
	_ =	swait.ge [sflag:s4], $0x0  }
0x19: {  	s7 =	sld [smem:$0x3F9B]  }
0x1a: {  	s8 =	sadd.s32 $0xFFFFE003, lr  }
0x1b: {  	s9 =	sadd.s32 $0xFFFFFEF7, lr;
	s5 =	simm.s32 $0xFFFFFFFF;
	p2 =	slt.u32 s8, $0xFFFFF086  }
0x1c: {  	p1 =	slt.u32 s9, $0xF7A;
	s5 =	simm.s32 @!p2 $0x0  }
0x1d: {  	s5 =	simm.s32 @p1 $0x1;
	p0 =	seq.s32 s7, s2  }
0x1e: {  	s7 =	smul.u32 @!p0 $0xF7A, s2;
	p2 =	seq.s32 @!p0 s5, $0x0  }
0x1f: {  	s9 =	smul.u32 $0xF7A, s1;
	s8 =	simm.s32 @!p0 $0x1BF5;
	p2 =	por !p2, p0  }
0x20: {  	[sflag:s8] =	ssyncset.s32 @!p0 $0xFFFFF086;
	s6 =	sadd.s32 @!p0 s3, s7;
	s7 =	simm.s32 @!p0 $0x108  }
0x21: {  	s3 =	sadd.s32 s3, s9;
	s6 =	sadd.s32 @!p0 $0x88, s6;
	s7 =	simm.s32 @p2 $0x1082  }
0x22: {  	[simem:s7], [sflag:s8] =	dma.local @!p0 [hbm:s6], $0xF7A  }
0x23: {  	s9 =	sor.u32 $0xD0000000, s2;
	s6 =	simm.s32 $0x108;
	_ =	swait.ge @!p0 [sflag:s8], $0x0  }
0x24: {  	s3 =	sadd.s32 $0x88, s3;
	s6 =	simm.s32 @!p1 $0x1082;
	[sflag:s4] =	ssyncset.s32 $0xFFFFF086  }
0x25: {  	[simem:s6], [sflag:s4] =	dma.local [hbm:s3], $0xF7A  }
0x26: {  	[smem:$0x3F9B] =	sst s1;
	(tag) =	ssettag s2;
	_ =	strace s9  }
0x27: {  	s1 =	sld [smem:$0x3FAB]  }
0x28: {  	s2 =	sld [smem:$0x3FAC]  }
0x29: {  	s4 =	sld [smem:$0x3FAE]  }
0x2a: {  	p0 =	seq.s32 s5, $0x0;
	s5 =	sld [smem:$0x3FAF]  }
0x2b: {  	s6 =	sld [smem:$0x3FB0]  }
0x2c: {  	s7 =	sld [smem:$0x3FB1]  }
0x2d: {  	s3 =	simm.s32 $0x108;
	s8 =	sld [smem:$0x3FB2]  }
0x2e: {  	s3 =	simm.s32 @!p0 $0x1082;
	s9 =	sld [smem:$0x3FB3]  }
0x2f: {  	lr =	sadd.s32 s0, s3;
	s0 =	sld [smem:$0x3FAA]  }
0x30: {  	s3 =	sld [smem:$0x3FAD]  }
0x31: {  	[smem:$0x3FB6] =	sst s10  }
0x32: {  	s10 =	sld [smem:$0x3FB4];
	_ =	sdelay $0x3  }
0x33: {  	p0 =	seq.s32 s10, $0x1;
	s10 =	sld [smem:$0x3FB6];
	_ =	sdelay $0x3  }
0x34: {  	[smem:$0x3FB6] =	sst s10  }
0x35: {  	s10 =	sld [smem:$0x3FB5];
	_ =	sdelay $0x3  }
0x36: {  	p1 =	seq.s32 s10, $0x1;
	s10 =	sld [smem:$0x3FB6];
	_ =	sdelay $0x3  }
0x37: {  	[smem:$0x3FB6] =	sst s10  }
0x38: {  	s10 =	sld [smem:$0x3FB7]  }
0x39: {  	_ = 	snop;
	(pc) =	sbr.ind lr, $3  }
0x3a: {  	_ = 	snop  }
0x3b: {  	_ = 	snop  }
0x3c: {  	p2 =	seq.s32 s10, $0x1;
	s10 =	sld [smem:$0x3FB6]  }
0x3d: {  	_ =	shalt  }
0x3e: {  	_ =	shalt  }
0x3f: {  	_ =	shalt  }
0x40: {  	_ =	shalt  }
0x41: {  	_ =	shalt  }
0x42: {  	_ =	shalt  }
0x43: {  	_ =	shalt  }
0x44: {  	_ =	shalt  }
0x45: {  	_ =	shalt  }
0x46: {  	_ =	shalt  }
0x47: {  	_ =	shalt  }
0x48: {  	_ =	shalt  }
0x49: {  	_ =	shalt  }
0x4a: {  	_ =	shalt  }
0x4b: {  	_ =	shalt  }
0x4c: {  	_ =	shalt  }
0x4d: {  	_ =	shalt  }
0x4e: {  	_ =	shalt  }
0x4f: {  	_ =	shalt  }
0x50: {  	_ =	shalt  }
0x51: {  	_ =	shalt  }
0x52: {  	_ =	shalt  }
0x53: {  	_ =	shalt  }
0x54: {  	_ =	shalt  }
0x55: {  	_ =	shalt  }
0x56: {  	_ =	shalt  }
0x57: {  	_ =	shalt  }
0x58: {  	_ =	shalt  }
0x59: {  	_ =	shalt  }
0x5a: {  	_ =	shalt  }
0x5b: {  	_ =	shalt  }
0x5c: {  	_ =	shalt  }
0x5d: {  	_ =	shalt  }
0x5e: {  	_ =	shalt  }
0x5f: {  	_ =	shalt  }
0x60: {  	_ =	shalt  }
0x61: {  	_ =	shalt  }
0x62: {  	_ =	shalt  }
0x63: {  	_ =	shalt  }
0x64: {  	_ =	shalt  }
0x65: {  	_ =	shalt  }
0x66: {  	_ =	shalt  }
0x67: {  	_ =	shalt  }
0x68: {  	_ =	shalt  }
0x69: {  	_ =	shalt  }
0x6a: {  	_ =	shalt  }
0x6b: {  	_ =	shalt  }
0x6c: {  	_ =	shalt  }
0x6d: {  	_ =	shalt  }
0x6e: {  	_ =	shalt  }
0x6f: {  	_ =	shalt  }
0x70: {  	_ =	shalt  }
0x71: {  	_ =	shalt  }
0x72: {  	_ =	shalt  }
0x73: {  	_ =	shalt  }
0x74: {  	_ =	shalt  }
0x75: {  	_ =	shalt  }
0x76: {  	_ =	shalt  }
0x77: {  	_ =	shalt  }
0x78: {  	_ =	shalt  }
0x79: {  	_ =	shalt  }
0x7a: {  	_ =	shalt  }
0x7b: {  	_ =	shalt  }
0x7c: {  	_ =	shalt  }
0x7d: {  	_ =	shalt  }
0x7e: {  	_ =	shalt  }
0x7f: {  	_ =	shalt  }
0x80: {  	_ =	shalt  }
0x81: {  	_ =	shalt  }
0x82: {  	_ =	shalt  }
0x83: {  	_ =	shalt  }
0x84: {  	_ =	shalt  }
0x85: {  	_ =	shalt  }
0x86: {  	_ =	shalt  }
0x87: {  	_ =	shalt  }
.Lfunc_end0:
.L_simem_size_0:
called_computation_lowered:
.L_overlay_start_0:
0x88: {  	s2 =	sld [smem:$0x3FD9]  }
0x89: {  	s3 =	sld [smem:$0x3FFE];
	_ =	sdelay $0x1  }
0x8a: {  	s1 =	srdreg.scid  }
0x8b: {  	s0 =	sand.u32 $0x1, s1  }
0x8c: {  	s17 =	sshll.u32 s0, $0xA;
	s2 =	sadd.s32 s3, s2  }
0x8d: {  	s2 =	sadd.s32 s2, s17  }
0x8e: {  	[smem:$0x3FC2] =	sst s2  }
0x8f: {  	_ = 	snop  }
0x90: {  	s2 =	sld [smem:$0x3FD0];
	(tm) =	ssettm $0x1  }
0x91: {  	s18 =	sld [smem:$0x3FFB];
	_ =	sdelay $0x3  }
0x92: {  	_ =	strace s18  }
0x93: {  	s3 =	sld [smem:$0x3FFC];
	_ =	sdelay $0x3  }
0x94: {  	_ =	strace s3  }
0x95: {  	s3 =	sld [smem:$0x3FFD];
	_ =	sdelay $0x3  }
0x96: {  	_ =	strace s3  }
0x97: {  	_ =	strace $0x8FFFFFFF  }
0x98: {  	s19 =	sld [smem:$0x3FDB];
	_ =	sdelay $0x1  }
0x99: {  	s4 =	simm.s32 $_scs_section_size  }
0x9a: {  	s5 =	simm.s32 $_size__tile_overlayer_lowered;
	s6 =	simm.s32 $_tile_overlayer_lowered  }
0x9b: {  	s22 =	simm.s32 $0x1BFF;
	s21 =	sshll.u32 s6, $0x1;
	s3 =	sadd.s32 s4, s19  }
0x9c: {  	s7 =	simm.s32 $0x0;
	s20 =	sshll.u32 s5, $0x1;
	s5 =	sadd.s32 s21, s3  }
0x9d: {  	[timem:s7], [sflag:s22] =	dma.local [hbm:s5], s20  }
0x9e: {  	_ =	swait.ge [sflag:s22], s20  }
0x9f: {  	s4 =	ssub.s32 $0x0, s20;
	[sflag:s22] =	ssyncset.done $0x0  }
0xa0: {  	[sflag:s22] =	ssyncadd.s32 s4;
	_ =	sdelay $0x1  }
0xa1: {  	s23 =	simm.s32 $0x1B8B  }
0xa2: {  	_ =	swait.ge [sflag:s23], $0x1  }
0xa3: {  	[sflag:s23] =	ssyncset.done $0x0  }
0xa4: {  	s25 =	simm.s32 $0x1B8E;
	s24 =	sld [smem:$0x3FFE];
	[sflag:s23] =	ssyncadd.s32 $0xFFFFFFFF  }
0xa5: {  	s26 =	simm.s32 $execute0_lowered;
	[smem:$0x3FD2] =	sst s25  }
0xa6: {  	s5 =	sshll.u32 s26, $0x1;
	_ =	strace $0x80000046;
	[dreg:$0x1] =	wrdreg $0xFFFFFFFF  }
0xa7: {  	s28 =	simm.s32 $_size_execute0_lowered;
	s3 =	sadd.s32 s3, s5;
	[dreg:$0x0] =	wrdreg $0x0  }
0xa8: {  	s5 =	sshll.u32 s28, $0x1;
	[dreg:$0x2] =	wrdreg s3  }
0xa9: {  	[dreg:$0x3] =	wrdreg s5  }
0xaa: {  	[dreg:$0x4] =	wrdreg $0xC0  }
0xab: {  	_ =	task [dreg:s7], $0x5FFFF  }
0xac: {  	[dreg:$0x1] =	wrdreg $0xFFFFFFFF  }
0xad: {  	[dreg:$0x0] =	wrdreg $0x60  }
0xae: {  	[dreg:$0x2] =	wrdreg s2  }
0xaf: {  	[dreg:$0x3] =	wrdreg s24  }
0xb0: {  	[dreg:$0x4] =	wrdreg $0x9  }
0xb1: {  	_ =	task.clear_ibuf [dreg:s7], $0x5FFFF;
	_ =	strace $0x90000046  }
0xb2: {  	s29 =	simm.s32 $0x9;
	_ =	strace $0x80000048  }
0xb3: {  	_ =	swait.ge [sflag:s29], $0x1  }
0xb4: {  	[sflag:s29] =	ssyncadd.s32 $0xFFFFFFFF  }
0xb5: {  	_ =	strace $0x90000048  }
0xb6: {  	_ =	sfence  }
0xb7: {  	s30 =	sld [smem:$0x0];
	_ =	sdelay $0x2  }
0xb8: {  	s31 =	sshll.u32 s1, $0xD;
	s1 =	sshrl.u32 s1, $0x2  }
0xb9: {  	s3 =	sand.u32 $0x4000, s31;
	s1 =	sadd.s32 s1, s30  }
0xba: {  	s0 =	sor.u32 s3, s0;
	s1 =	sshll.u32 s1, $0x11  }
0xbb: {  	s0 =	sor.u32 s1, s0  }
0xbc: {  	s0 =	sadd.s32 $0x8F2B, s0  }
0xbd: {  	[sflag:s0] =	ssyncadd.remote.s32 $0x1  }
0xbe: {  	_ =	sfence.sel $0xFFFF  }
0xbf: {  	[dreg:$0x0] =	wrdreg $0xFFFFFFFF;
	(pc) =	sbr.abs _section_cstart, $3  }
0xc0: {  	[dreg:$0x1] =	wrdreg $0xFFFFFFFF  }
0xc1: {  	_ =	task.clear_ibuf [dreg:s7], $0x2FFFF;
	_ =	strace $0x9FFFFFFF  }
0xc2: {  	(tm) =	ssettm $0x7FFFFFFF  }
0xc3: {  	_ =	shalt  }
tec
execute0_lowered:
.L_overlay_start_1:
0x0: {  	(tag) =	ssettag $0x1  }
0x1: {  	s2 =	rddreg [dreg:$0x0]  }
0x2: {  	s0 =	rddreg [dreg:$0x1];
	s1 =	srdreg.scid  }
0x3: {  	s23 =	stileid.u32;
	s3 =	simm.s32 $0x0;
	s24 =	simm.s32 $0x3  }
0x4: {  	s28 =	simm.s32 $0x2;
	s30 =	simm.s32 $0x0;
	s1 =	sand.u32 $0x1, s1  }
0x5: {  	s4 =	sshll.u32 s23, $0x9;
	[smem:$0x7FF] =	sst s3;
	s23 =	sshll.u32 s23, $0xD  }
0x6: {  	s5 =	sshll.u32 s1, $0x8;
	_ =	strace $0x80000047;
	s25 =	ssub.s32 $0x2, s1  }
0x7: {  	s1 =	sshll.u32 s1, $0xC;
	s20 =	sor.u32 s5, s4;
	s26 =	sshrl.u32 s25, $0x1  }
0x8: {  	s4 =	sshrl.u32 s20, $0x3;
	s21 =	ssub.s32 s25, s26;
	s20 =	sshll.u32 s20, $0x4  }
0x9: {  	s25 =	simm.s32 $0x1;
	s26 =	simm.s32 $0x5000;
	s19 =	sadd.s32 s4, s0  }
0xa: {  	s0 =	sadd.s32 $0x6000, s0;
	s29 =	sadd.s32 $0x2000, s19;
	s31 =	sadd.s32 $0x2400, s19  }
0xb: {  	s6 =	sadd.s32 $0x2800, s19;
	s7 =	sadd.s32 $0x2C00, s19;
	s8 =	sadd.s32 $0x3000, s19  }
0xc: {  	s9 =	sadd.s32 $0x3400, s19;
	s10 =	sadd.s32 $0x3800, s19;
	s11 =	sadd.s32 $0x3C00, s19  }
0xd: {  	s12 =	sadd.s32 $0x4000, s19;
	s13 =	sadd.s32 $0x4400, s19;
	s14 =	sadd.s32 $0x4800, s19  }
0xe: {  	s15 =	sadd.s32 $0x4C00, s19;
	s16 =	sadd.s32 $0x5000, s19;
	s17 =	sadd.s32 $0x5400, s19  }
0xf: {  	s18 =	sadd.s32 $0x5800, s19;
	s19 =	sadd.s32 $0x5C00, s19;
	s22 =	sadd.s32 s0, s20  }
0x10: {  	s20 =	smax.u32 s21, $0x1;
	s0 =	sadd.s32 s23, s0;
	[dreg:$0x3] =	wrdreg s29  }
0x11: {  	[dreg:$0x4] =	wrdreg s31;
	s21 =	sadd.s32 $0x1E0000, s22;
	s22 =	sadd.s32 $0x1E0800, s22  }
0x12: {  	s23 =	sadd.s32 s1, s0;
	s0 =	simm.s32 $0x80;
	s1 =	simm.s32 $0x1000  }
.LBB2_1:
0x13: {  	s4 =	rddreg [dreg:$0x3]  }
0x14: {  	[tilespmem:s3], [sflag:$0x3] =	stream.linear.gather [hbm4b:s4+s3], $0x100, $0x38;
	[tilespmem:$0x9000] =	vst v63  }
0x15: {  	_ =	swait.ge [sflag:s24], $0x100  }
0x16: {  	[sflag:s24] =	ssyncset.done $0x0  }
0x17: {  	s31 =	simm.s32 $0x100;
	s5 =	rddreg [dreg:$0x4];
	[sflag:s24] =	ssyncadd.s32 $0xFFFFFF00  }
0x18: {  	[tilespmem:s31], [sflag:$0x3] =	stream.linear.gather [hbm4b:s5+s3], $0x100, $0x38;
	[tilespmem:$0x9000] =	vst v63  }
0x19: {  	_ =	swait.ge [sflag:s24], $0x100  }
0x1a: {  	[sflag:s24] =	ssyncset.done $0x0  }
0x1b: {  	s5 =	simm.s32 $0x200;
	[sflag:s24] =	ssyncadd.s32 $0xFFFFFF00  }
0x1c: {  	[tilespmem:s5], [sflag:$0x3] =	stream.linear.gather [hbm4b:s6+s3], $0x100, $0x38;
	[tilespmem:$0x9000] =	vst v63  }
0x1d: {  	_ =	swait.ge [sflag:s24], $0x100  }
0x1e: {  	[sflag:s24] =	ssyncset.done $0x0  }
0x1f: {  	s5 =	simm.s32 $0x300;
	[sflag:s24] =	ssyncadd.s32 $0xFFFFFF00  }
0x20: {  	[tilespmem:s5], [sflag:$0x3] =	stream.linear.gather [hbm4b:s7+s3], $0x100, $0x38;
	[tilespmem:$0x9000] =	vst v63  }
0x21: {  	_ =	swait.ge [sflag:s24], $0x100  }
0x22: {  	[sflag:s24] =	ssyncset.done $0x0  }
0x23: {  	s5 =	simm.s32 $0x400;
	[sflag:s24] =	ssyncadd.s32 $0xFFFFFF00  }
0x24: {  	[tilespmem:s5], [sflag:$0x3] =	stream.linear.gather [hbm4b:s8+s3], $0x100, $0x38;
	[tilespmem:$0x9000] =	vst v63  }
0x25: {  	_ =	swait.ge [sflag:s24], $0x100  }
0x26: {  	[sflag:s24] =	ssyncset.done $0x0  }
0x27: {  	s5 =	simm.s32 $0x500;
	[sflag:s24] =	ssyncadd.s32 $0xFFFFFF00  }
0x28: {  	[tilespmem:s5], [sflag:$0x3] =	stream.linear.gather [hbm4b:s9+s3], $0x100, $0x38;
	[tilespmem:$0x9000] =	vst v63  }
0x29: {  	_ =	swait.ge [sflag:s24], $0x100  }
0x2a: {  	[sflag:s24] =	ssyncset.done $0x0  }
0x2b: {  	s5 =	simm.s32 $0x600;
	[sflag:s24] =	ssyncadd.s32 $0xFFFFFF00  }
0x2c: {  	[tilespmem:s5], [sflag:$0x3] =	stream.linear.gather [hbm4b:s10+s3], $0x100, $0x38;
	[tilespmem:$0x9000] =	vst v63  }
0x2d: {  	_ =	swait.ge [sflag:s24], $0x100  }
0x2e: {  	[sflag:s24] =	ssyncset.done $0x0  }
0x2f: {  	s5 =	simm.s32 $0x700;
	[sflag:s24] =	ssyncadd.s32 $0xFFFFFF00  }
0x30: {  	[tilespmem:s5], [sflag:$0x3] =	stream.linear.gather [hbm4b:s11+s3], $0x100, $0x38;
	[tilespmem:$0x9000] =	vst v63  }
0x31: {  	_ =	swait.ge [sflag:s24], $0x100  }
0x32: {  	[sflag:s24] =	ssyncset.done $0x0  }
0x33: {  	s5 =	simm.s32 $0x800;
	[sflag:s24] =	ssyncadd.s32 $0xFFFFFF00  }
0x34: {  	[tilespmem:s5], [sflag:$0x3] =	stream.linear.gather [hbm4b:s12+s3], $0x100, $0x38;
	[tilespmem:$0x9000] =	vst v63  }
0x35: {  	_ =	swait.ge [sflag:s24], $0x100  }
0x36: {  	[sflag:s24] =	ssyncset.done $0x0  }
0x37: {  	s5 =	simm.s32 $0x900;
	[sflag:s24] =	ssyncadd.s32 $0xFFFFFF00  }
0x38: {  	[tilespmem:s5], [sflag:$0x3] =	stream.linear.gather [hbm4b:s13+s3], $0x100, $0x38;
	[tilespmem:$0x9000] =	vst v63  }
0x39: {  	_ =	swait.ge [sflag:s24], $0x100  }
0x3a: {  	[sflag:s24] =	ssyncset.done $0x0  }
0x3b: {  	s5 =	simm.s32 $0xA00;
	[sflag:s24] =	ssyncadd.s32 $0xFFFFFF00  }
0x3c: {  	[tilespmem:s5], [sflag:$0x3] =	stream.linear.gather [hbm4b:s14+s3], $0x100, $0x38;
	[tilespmem:$0x9000] =	vst v63  }
0x3d: {  	_ =	swait.ge [sflag:s24], $0x100  }
0x3e: {  	[sflag:s24] =	ssyncset.done $0x0  }
0x3f: {  	s5 =	simm.s32 $0xB00;
	[sflag:s24] =	ssyncadd.s32 $0xFFFFFF00  }
0x40: {  	[tilespmem:s5], [sflag:$0x3] =	stream.linear.gather [hbm4b:s15+s3], $0x100, $0x38;
	[tilespmem:$0x9000] =	vst v63  }
0x41: {  	_ =	swait.ge [sflag:s24], $0x100  }
0x42: {  	[sflag:s24] =	ssyncset.done $0x0  }
0x43: {  	s5 =	simm.s32 $0xC00;
	[sflag:s24] =	ssyncadd.s32 $0xFFFFFF00  }
0x44: {  	[tilespmem:s5], [sflag:$0x3] =	stream.linear.gather [hbm4b:s16+s3], $0x100, $0x38;
	[tilespmem:$0x9000] =	vst v63  }
0x45: {  	_ =	swait.ge [sflag:s24], $0x100  }
0x46: {  	[sflag:s24] =	ssyncset.done $0x0  }
0x47: {  	s5 =	simm.s32 $0xD00;
	[sflag:s24] =	ssyncadd.s32 $0xFFFFFF00  }
0x48: {  	[tilespmem:s5], [sflag:$0x3] =	stream.linear.gather [hbm4b:s17+s3], $0x100, $0x38;
	[tilespmem:$0x9000] =	vst v63  }
0x49: {  	_ =	swait.ge [sflag:s24], $0x100  }
0x4a: {  	[sflag:s24] =	ssyncset.done $0x0  }
0x4b: {  	s5 =	simm.s32 $0xE00;
	[sflag:s24] =	ssyncadd.s32 $0xFFFFFF00  }
0x4c: {  	[tilespmem:s5], [sflag:$0x3] =	stream.linear.gather [hbm4b:s18+s3], $0x100, $0x38;
	[tilespmem:$0x9000] =	vst v63  }
0x4d: {  	_ =	swait.ge [sflag:s24], $0x100  }
0x4e: {  	[sflag:s24] =	ssyncset.done $0x0  }
0x4f: {  	s5 =	simm.s32 $0xF00;
	[sflag:s24] =	ssyncadd.s32 $0xFFFFFF00  }
0x50: {  	[tilespmem:s5], [sflag:$0x3] =	stream.linear.gather [hbm4b:s19+s3], $0x100, $0x38;
	[tilespmem:$0x9000] =	vst v63  }
0x51: {  	_ =	swait.ge [sflag:s24], $0x100  }
0x52: {  	[sflag:s24] =	ssyncset.done $0x0  }
0x53: {  	[sflag:s24] =	ssyncadd.s32 $0xFFFFFF00  }
0x54: {  	[tilespmem:s1], [sflag:$0x1] =	stream.indirect.gather [hbm4b:s2+s0], $0x80, s3, s0, $0xb8;
	[tilespmem:$0x9000] =	vst v63  }
0x55: {  	_ =	swait.ge [sflag:s25], $0x4000  }
0x56: {  	[sflag:s25] =	ssyncset.done $0x0  }
0x57: {  	s29 =	simm.s32 $0x80;
	[sflag:s25] =	ssyncadd.s32 $0xFFFFC000  }
0x58: {  	[tilespmem:s26], [sflag:$0x2] =	stream.indirect.gather [hbm4b:s2+s0], $0x80, s29, s0, $0xb8;
	[tilespmem:$0x9000] =	vst v63  }
0x59: {  	s29 =	sadd.s32 $0x0, s23  }
0x5a: {  	[hbm4b:s29+s3] =	stream.linear.scatter [tilespmem:s1], [sflag:$0x3], $0x4000, $0x38;
	[tilespmem:$0x9000] =	vst v63  }
0x5b: {  	_ =	swait.ge [sflag:s24], $0x4000  }
0x5c: {  	[sflag:s24] =	ssyncset.done $0x0  }
0x5d: {  	[sflag:s24] =	ssyncadd.s32 $0xFFFFC000  }
0x5e: {  	_ =	swait.ge [sflag:s28], $0x4000  }
0x5f: {  	[sflag:s28] =	ssyncset.done $0x0  }
0x60: {  	[sflag:s28] =	ssyncadd.s32 $0xFFFFC000  }
0x61: {  	[tilespmem:s1], [sflag:$0x1] =	stream.indirect.gather [hbm4b:s2+s0], $0x80, s31, s0, $0xb8;
	[tilespmem:$0x9000] =	vst v63  }
0x62: {  	s29 =	sadd.s32 $0x800, s29  }
0x63: {  	[hbm4b:s29+s3] =	stream.linear.scatter [tilespmem:s26], [sflag:$0x3], $0x4000, $0x38;
	[tilespmem:$0x9000] =	vst v63  }
0x64: {  	_ =	swait.ge [sflag:s24], $0x4000  }
0x65: {  	s29 =	simm.s32 $0x20000;
	[sflag:s24] =	ssyncset.done $0x0  }
.LBB2_2:
0x66: {  	p0 =	sne.s32 s29, $0x1C0000;
	[sflag:s24] =	ssyncadd.s32 $0xFFFFC000;
	s31 =	sadd.s32 $0x100, s31  }
0x67: {  	s4 =	smov.u32 s29;
	s29 =	sadd.s32 $0x20000, s29  }
0x68: {  	_ =	swait.ge [sflag:s25], $0x4000  }
0x69: {  	[sflag:s25] =	ssyncset.done $0x0  }
0x6a: {  	s5 =	sadd.s32 $0xFFFFFF80, s31;
	[sflag:s25] =	ssyncadd.s32 $0xFFFFC000  }
0x6b: {  	[tilespmem:s26], [sflag:$0x2] =	stream.indirect.gather [hbm4b:s2+s0], $0x80, s5, s0, $0xb8;
	[tilespmem:$0x9000] =	vst v63  }
0x6c: {  	s4 =	sadd.s32 s4, s23  }
0x6d: {  	[hbm4b:s4+s3] =	stream.linear.scatter [tilespmem:s1], [sflag:$0x3], $0x4000, $0x38;
	[tilespmem:$0x9000] =	vst v63  }
0x6e: {  	_ =	swait.ge [sflag:s24], $0x4000  }
0x6f: {  	[sflag:s24] =	ssyncset.done $0x0  }
0x70: {  	[sflag:s24] =	ssyncadd.s32 $0xFFFFC000  }
0x71: {  	_ =	swait.ge [sflag:s28], $0x4000  }
0x72: {  	[sflag:s28] =	ssyncset.done $0x0  }
0x73: {  	[sflag:s28] =	ssyncadd.s32 $0xFFFFC000  }
0x74: {  	[tilespmem:s1], [sflag:$0x1] =	stream.indirect.gather [hbm4b:s2+s0], $0x80, s31, s0, $0xb8;
	[tilespmem:$0x9000] =	vst v63  }
.Ltmp0:
0x75: {  	_ = 	snop;
	(pc) =	sbr.rel @p0 .LBB2_2-.Ltmp0, $4  }
0x76: {  	s4 =	sadd.s32 $0x800, s4  }
0x77: {  	[hbm4b:s4+s3] =	stream.linear.scatter [tilespmem:s26], [sflag:$0x3], $0x4000, $0x38;
	[tilespmem:$0x9000] =	vst v63  }
0x78: {  	_ =	swait.ge [sflag:s24], $0x4000  }
0x79: {  	[sflag:s24] =	ssyncset.done $0x0  }
0x7a: {  	[sflag:s24] =	ssyncadd.s32 $0xFFFFC000  }
0x7b: {  	_ =	swait.ge [sflag:s25], $0x4000  }
0x7c: {  	[sflag:s25] =	ssyncset.done $0x0  }
0x7d: {  	s4 =	simm.s32 $0xF80;
	[sflag:s25] =	ssyncadd.s32 $0xFFFFC000  }
0x7e: {  	[tilespmem:s26], [sflag:$0x2] =	stream.indirect.gather [hbm4b:s2+s0], $0x80, s4, s0, $0xb8;
	[tilespmem:$0x9000] =	vst v63  }
0x7f: {  	_ = 	snop  }
0x80: {  	[hbm4b:s21+s3] =	stream.linear.scatter [tilespmem:s1], [sflag:$0x3], $0x4000, $0x38;
	[tilespmem:$0x9000] =	vst v63  }
0x81: {  	_ =	swait.ge [sflag:s24], $0x4000  }
0x82: {  	[sflag:s24] =	ssyncset.done $0x0  }
0x83: {  	[sflag:s24] =	ssyncadd.s32 $0xFFFFC000  }
0x84: {  	s30 =	sadd.s32 $0x1, s30;
	_ =	swait.ge [sflag:s28], $0x4000  }
0x85: {  	p0 =	sne.s32 s30, s20;
	[sflag:s28] =	ssyncset.done $0x0  }
.Ltmp1:
0x86: {  	[sflag:s28] =	ssyncadd.s32 $0xFFFFC000;
	(pc) =	sbr.rel @p0 .LBB2_1-.Ltmp1, $4  }
0x87: {  	[hbm4b:s22+s3] =	stream.linear.scatter [tilespmem:s26], [sflag:$0x3], $0x4000, $0x38;
	[tilespmem:$0x9000] =	vst v63  }
0x88: {  	_ =	swait.ge [sflag:s24], $0x4000  }
0x89: {  	[sflag:s24] =	ssyncset.done $0x0  }
0x8a: {  	[sflag:s24] =	ssyncadd.s32 $0xFFFFC000  }
0x8b: {  	_ =	sfence.sel $0x180000  }
0x8c: {  	[bflag:$0x0] =	sbarrier.arrive $0xFFFF  }
0x8d: {  	_ =	strace $0x90000047  }
0x8e: {  	s0 =	stileid.u32;
	[bflag:$0x2] =	sbarrier.arrive $0xFFFF  }
0x8f: {  	p0 =	sne.s32 s0, $0x0;
	s0 =	rddreg [dreg:$0x2]  }
0x90: {  	s0 =	sadd.s32 @!p0 $0x100000, s0  }
0x91: {  	[sflag:s0] =	ssyncadd.tile.s32 @!p0 $0x1;
	_ =	shalt  }
.Lfunc_end2:
_tile_overlayer_lowered:
.L_overlay_start_2:
0x92: {  	(tag) =	ssettag $0x2  }
0x93: {  	s0 =	rddreg [dreg:$0x0];
	s2 =	stileid.u32  }
0x94: {  	s1 =	rddreg [dreg:$0x1];
	p0 =	sne.s32 s2, $0x0  }
0x95: {  	s3 =	rddreg [dreg:$0x2];
	[bflag:$0x3] =	sbarrier.arrive $0xFFFF;
	s2 =	simm.s32 @!p0 $0x1C03  }
0x96: {  	[timem:s3], [sflag:s2] =	dma.local @!p0 [hbm:s0], s1  }
0x97: {  	s0 =	simm.s32 @!p0 $0x3  }
0x98: {  	_ =	swait.ge @!p0 [sflag:s0], s1  }
0x99: {  	s1 =	ssub.s32 @!p0 $0x0, s1;
	[sflag:s0] =	ssyncset.done @!p0 $0x0  }
0x9a: {  	[sflag:s0] =	ssyncadd.s32 @!p0 s1  }
0x9b: {  	[bflag:$0x3] =	sbarrier.arrive $0xFFFF  }
0x9c: {  	_ =	shalt  }

</sc_bundles>
